<compile_context>
chip_gen: v7x
topology: tpu7x:2x2x1
jax: 0.10.2.dev20260603
libtpu: 0.0.44.dev20260713+nightly
codegen_flags: <defaults>
</compile_context>

<pallas_src>
import jax
import jax.numpy as jnp
from jax import lax
from jax.experimental import pallas as pl
from jax.experimental.pallas import tpu as pltpu
from jax.experimental.pallas import tpu_sc as plsc

_E = 16
_K = 8
_H = 2048
_I = 768
_T = 512

_IB = 768
_NI = _I // _IB


def _moe_tc_body(w_ref, x_ref, gate_ref, up_ref, down_ref, out_ref):
    e = pl.program_id(0)
    i = pl.program_id(1)

    @pl.when((e == 0) & (i == 0))
    def _init():
        out_ref[...] = jnp.zeros_like(out_ref)

    x = x_ref[...].astype(jnp.bfloat16)
    g = lax.dot_general(x, gate_ref[0].astype(jnp.bfloat16),
                        (((1,), (1,)), ((), ())),
                        preferred_element_type=jnp.float32)
    u = lax.dot_general(x, up_ref[0].astype(jnp.bfloat16),
                        (((1,), (1,)), ((), ())),
                        preferred_element_type=jnp.float32)
    f = (g * jax.nn.sigmoid(g)) * u
    w = w_ref[0, 0, :]
    fw = (f * w[:, None]).astype(jnp.bfloat16)
    out_ref[...] += lax.dot_general(
        fw, down_ref[0].astype(jnp.bfloat16), (((1,), (1,)), ((), ())),
        preferred_element_type=jnp.float32)


def _moe_tc(w_et, hidden, gate_proj, up_proj, down_proj):
    return pl.pallas_call(
        _moe_tc_body,
        grid=(_E, _NI),
        in_specs=[
            pl.BlockSpec((1, 1, _T), lambda e, i: (e, 0, 0)),
            pl.BlockSpec((_T, _H), lambda e, i: (0, 0)),
            pl.BlockSpec((1, _IB, _H), lambda e, i: (e, i, 0)),
            pl.BlockSpec((1, _IB, _H), lambda e, i: (e, i, 0)),
            pl.BlockSpec((1, _H, _IB), lambda e, i: (e, 0, i)),
        ],
        out_specs=pl.BlockSpec((_T, _H), lambda e, i: (0, 0)),
        out_shape=jax.ShapeDtypeStruct((_T, _H), jnp.float32),
    )(w_et, hidden, gate_proj, up_proj, down_proj)



_NC = 2
_NS = 16
_TPW = _T // (_NC * _NS)


def _route_sc_body(logits_hbm, w_hbm, logits_v, w_v):
    wid = lax.axis_index("s") * _NC + lax.axis_index("c")
    base = wid * _TPW
    pltpu.sync_copy(logits_hbm.at[pl.ds(base, _TPW)], logits_v)
    tok = lax.iota(jnp.int32, _TPW)
    l = [plsc.load_gather(logits_v, [tok, jnp.full((_TPW,), e, jnp.int32)])
         for e in range(_E)]
    m = l[0]
    for e in range(1, _E):
        m = jnp.maximum(m, l[e])
    el = [jnp.exp(v - m) for v in l]
    s = el[0]
    for e in range(1, _E):
        s = s + el[e]
    p = [v / s for v in el]
    rank = [jnp.zeros((_TPW,), jnp.int32) for _ in range(_E)]
    one = jnp.ones((_TPW,), jnp.int32)
    for e1 in range(_E):
        for e2 in range(e1 + 1, _E):
            c = (p[e1] >= p[e2]).astype(jnp.int32)
            rank[e2] = rank[e2] + c
            rank[e1] = rank[e1] + (one - c)
    wsel = [jnp.where(rank[e] < _K, p[e], 0.0) for e in range(_E)]
    ns = wsel[0]
    for e in range(1, _E):
        ns = ns + wsel[e]
    for e in range(_E):
        w_v[e] = wsel[e] / ns
    pltpu.sync_copy(w_v, w_hbm.at[:, pl.ds(base, _TPW)])


@jax.jit
def _route_sc(router_logits):
    return pl.kernel(
        _route_sc_body,
        mesh=plsc.VectorSubcoreMesh(core_axis_name="c", subcore_axis_name="s"),
        compiler_params=pltpu.CompilerParams(
            needs_layout_passes=False, use_tc_tiling_on_sc=False),
        out_type=jax.ShapeDtypeStruct((_E, _T), jnp.float32),
        scratch_types=[
            pltpu.VMEM((_TPW, _E), jnp.float32),
            pltpu.VMEM((_E, _TPW), jnp.float32),
        ],
    )(router_logits)


def kernel(hidden_states, router_logits, gate_proj, up_proj, down_proj):
    w_et = _route_sc(router_logits.astype(jnp.float32))
    return _moe_tc(w_et.reshape(_E, 1, _T),
                   hidden_states, gate_proj, up_proj, down_proj)

# --- scband reference (transcript-rebuilt; emitter-appended) ---
"""Pipeline reference for scband-spec-fused-mo-e-52742198395537 (READ-ONLY COPY).

The authoritative reference and input builder live on the scoring server;
editing this copy changes nothing except your own understanding.
"""

import jax, jax.numpy as jnp
import numpy as np

E = 16      # num_experts
K = 8       # top_k
H = 2048    # hidden_size
I = 768     # moe_intermediate_size
T = 512     # verify-phase tokens (batch=64, q_len=8)


def setup_inputs(seed: int = 0) -> dict:
    key = jax.random.key(seed)
    ks = jax.random.split(key, 5)
    hidden_states = jax.random.normal(ks[0], (T, H), dtype=jnp.float32)
    router_logits = jax.random.normal(ks[1], (T, E), dtype=jnp.float32)
    # expert_weights dict {eid: {'gate_proj','up_proj','down_proj'}} materialized as stacked tensors
    gate_proj = jax.random.normal(ks[2], (E, I, H), dtype=jnp.float32) * (1.0 / np.sqrt(H))
    up_proj = jax.random.normal(ks[3], (E, I, H), dtype=jnp.float32) * (1.0 / np.sqrt(H))
    down_proj = jax.random.normal(ks[4], (E, H, I), dtype=jnp.float32) * (1.0 / np.sqrt(I))
    return {
        'hidden_states': hidden_states,
        'router_logits': router_logits,
        'gate_proj': gate_proj,
        'up_proj': up_proj,
        'down_proj': down_proj,
    }


def reference(hidden_states, router_logits, gate_proj, up_proj, down_proj):
    # softmax routing + top-k (norm_topk_prob=True)
    routing_weights = jax.nn.softmax(router_logits.astype(jnp.float32), axis=-1)
    top_w, top_idx = jax.lax.top_k(routing_weights, K)
    top_w = top_w / jnp.sum(top_w, axis=-1, keepdims=True)
    top_w = top_w.astype(hidden_states.dtype)
    # frozen_mask=None, acceptance_probs=None -> all tokens active, original order
    output = jnp.zeros_like(hidden_states)
    # dedup: each unique expert loaded exactly once; tokens dispatched per expert
    for e in range(E):
        mask = (top_idx == e)                         # (T, K); at most one True per row
        w_e = jnp.sum(jnp.where(mask, top_w, jnp.zeros_like(top_w)), axis=-1)
        gate = jax.nn.silu(hidden_states @ gate_proj[e].T)
        up = hidden_states @ up_proj[e].T
        out_e = (gate * up) @ down_proj[e].T
        output = output + w_e[:, None] * out_e
    # result = hidden_states.clone(); result[active]=output  -> all active => output
    return output

if __name__ == "__main__":
    import jax
    _d = setup_inputs()
    print(jax.jit(kernel)(*tuple(_d.values())))

</pallas_src>

<mosaic_0001>
#map = affine_map<(d0, d1) -> (0, 0)>
module attributes {stable_mosaic.version = 14 : i64} {
  func.func @_route_sc_body(%arg0: i32, %arg1: i32, %arg2: memref<512x16xf32, #tpu.memory_space<hbm>>, %arg3: memref<16x512xf32, #tpu.memory_space<hbm>>, %arg4: memref<16x16xf32, #tpu.memory_space<vmem>>, %arg5: memref<16x16xf32, #tpu.memory_space<vmem>>) attributes {dimension_semantics = [#tpu.dimension_semantics<core_parallel>, #tpu.dimension_semantics<subcore_parallel>], iteration_bounds = array<i64: 2, 16>, scalar_prefetch = 0 : i64, scratch_operands = 2 : i64, tpu.core_type = #tpu.core_type<sc_vector_subcore>, window_params = [{transform_indices = #map}, {transform_indices = #map}]} {
    %mul3A = arith.constant 2 : i32
    %mul3A_0 = arith.muli %arg1, %mul3A : i32
    %add3A = arith.addi %mul3A_0, %arg0 : i32
    %mul3A_1 = arith.constant 16 : i32
    %mul3A_2 = arith.muli %add3A, %mul3A_1 : i32
    "tpu.region"() ({
      %run_scoped3A = tpu.sem_alloc : memref<!tpu.dma_semaphore, #tpu.memory_space<semaphore_mem>>
      %dma_start3A = arith.constant 0 : i32
      %dma_start3A_942 = tpu.memref_slice %arg2[%mul3A_2, %dma_start3A] : memref<512x16xf32, #tpu.memory_space<hbm>> -> memref<16x16xf32, #tpu.memory_space<hbm>>
      %dma_start3A_943 = arith.constant 0 : i32
      %dma_start3A_944 = tpu.memref_slice %arg2[%mul3A_2, %dma_start3A_943] : memref<512x16xf32, #tpu.memory_space<hbm>> -> memref<16x16xf32, #tpu.memory_space<hbm>>
      tpu.enqueue_dma source(%dma_start3A_944 : memref<16x16xf32, #tpu.memory_space<hbm>>) target(%arg4 : memref<16x16xf32, #tpu.memory_space<vmem>>) target_semaphore(%run_scoped3A : memref<!tpu.dma_semaphore, #tpu.memory_space<semaphore_mem>>)
      %dma_wait3A = arith.constant 0 : i32
      %dma_wait3A_945 = tpu.memref_slice %arg2[%mul3A_2, %dma_wait3A] : memref<512x16xf32, #tpu.memory_space<hbm>> -> memref<16x16xf32, #tpu.memory_space<hbm>>
      %dma_wait3A_946 = arith.constant 0 : i32
      %dma_wait3A_947 = tpu.memref_slice %arg2[%mul3A_2, %dma_wait3A_946] : memref<512x16xf32, #tpu.memory_space<hbm>> -> memref<16x16xf32, #tpu.memory_space<hbm>>
      tpu.wait_dma2 semaphore(%run_scoped3A : memref<!tpu.dma_semaphore, #tpu.memory_space<semaphore_mem>>) src(%dma_wait3A_947 : memref<16x16xf32, #tpu.memory_space<hbm>>) dst(%arg4 : memref<16x16xf32, #tpu.memory_space<vmem>>)
      tpu.yield
    }) : () -> ()
    %iota3A = tpu.iota {dimensions = array<i32: 0>} : vector<16xi32>
    %broadcast_in_dim3A = arith.constant 0 : i32
    %broadcast_in_dim3A_3 = vector.broadcast %broadcast_in_dim3A : i32 to vector<16xi32>
    %gather3A = tpu.vector_load_idx %arg4[%iota3A, %broadcast_in_dim3A_3] : memref<16x16xf32, #tpu.memory_space<vmem>>[vector<16xi32>, vector<16xi32>], vector<16xf32>,
    %broadcast_in_dim3A_4 = arith.constant 1 : i32
    %broadcast_in_dim3A_5 = vector.broadcast %broadcast_in_dim3A_4 : i32 to vector<16xi32>
    %gather3A_6 = tpu.vector_load_idx %arg4[%iota3A, %broadcast_in_dim3A_5] : memref<16x16xf32, #tpu.memory_space<vmem>>[vector<16xi32>, vector<16xi32>], vector<16xf32>,
    %broadcast_in_dim3A_7 = arith.constant 2 : i32
    %broadcast_in_dim3A_8 = vector.broadcast %broadcast_in_dim3A_7 : i32 to vector<16xi32>
    %gather3A_9 = tpu.vector_load_idx %arg4[%iota3A, %broadcast_in_dim3A_8] : memref<16x16xf32, #tpu.memory_space<vmem>>[vector<16xi32>, vector<16xi32>], vector<16xf32>,
    %broadcast_in_dim3A_10 = arith.constant 3 : i32
    %broadcast_in_dim3A_11 = vector.broadcast %broadcast_in_dim3A_10 : i32 to vector<16xi32>
    %gather3A_12 = tpu.vector_load_idx %arg4[%iota3A, %broadcast_in_dim3A_11] : memref<16x16xf32, #tpu.memory_space<vmem>>[vector<16xi32>, vector<16xi32>], vector<16xf32>,
    %broadcast_in_dim3A_13 = arith.constant 4 : i32
    %broadcast_in_dim3A_14 = vector.broadcast %broadcast_in_dim3A_13 : i32 to vector<16xi32>
    %gather3A_15 = tpu.vector_load_idx %arg4[%iota3A, %broadcast_in_dim3A_14] : memref<16x16xf32, #tpu.memory_space<vmem>>[vector<16xi32>, vector<16xi32>], vector<16xf32>,
    %broadcast_in_dim3A_16 = arith.constant 5 : i32
    %broadcast_in_dim3A_17 = vector.broadcast %broadcast_in_dim3A_16 : i32 to vector<16xi32>
    %gather3A_18 = tpu.vector_load_idx %arg4[%iota3A, %broadcast_in_dim3A_17] : memref<16x16xf32, #tpu.memory_space<vmem>>[vector<16xi32>, vector<16xi32>], vector<16xf32>,
    %broadcast_in_dim3A_19 = arith.constant 6 : i32
    %broadcast_in_dim3A_20 = vector.broadcast %broadcast_in_dim3A_19 : i32 to vector<16xi32>
    %gather3A_21 = tpu.vector_load_idx %arg4[%iota3A, %broadcast_in_dim3A_20] : memref<16x16xf32, #tpu.memory_space<vmem>>[vector<16xi32>, vector<16xi32>], vector<16xf32>,
    %broadcast_in_dim3A_22 = arith.constant 7 : i32
    %broadcast_in_dim3A_23 = vector.broadcast %broadcast_in_dim3A_22 : i32 to vector<16xi32>
    %gather3A_24 = tpu.vector_load_idx %arg4[%iota3A, %broadcast_in_dim3A_23] : memref<16x16xf32, #tpu.memory_space<vmem>>[vector<16xi32>, vector<16xi32>], vector<16xf32>,
    %broadcast_in_dim3A_25 = arith.constant 8 : i32
    %broadcast_in_dim3A_26 = vector.broadcast %broadcast_in_dim3A_25 : i32 to vector<16xi32>
    %gather3A_27 = tpu.vector_load_idx %arg4[%iota3A, %broadcast_in_dim3A_26] : memref<16x16xf32, #tpu.memory_space<vmem>>[vector<16xi32>, vector<16xi32>], vector<16xf32>,
    %broadcast_in_dim3A_28 = arith.constant 9 : i32
    %broadcast_in_dim3A_29 = vector.broadcast %broadcast_in_dim3A_28 : i32 to vector<16xi32>
    %gather3A_30 = tpu.vector_load_idx %arg4[%iota3A, %broadcast_in_dim3A_29] : memref<16x16xf32, #tpu.memory_space<vmem>>[vector<16xi32>, vector<16xi32>], vector<16xf32>,
    %broadcast_in_dim3A_31 = arith.constant 10 : i32
    %broadcast_in_dim3A_32 = vector.broadcast %broadcast_in_dim3A_31 : i32 to vector<16xi32>
    %gather3A_33 = tpu.vector_load_idx %arg4[%iota3A, %broadcast_in_dim3A_32] : memref<16x16xf32, #tpu.memory_space<vmem>>[vector<16xi32>, vector<16xi32>], vector<16xf32>,
    %broadcast_in_dim3A_34 = arith.constant 11 : i32
    %broadcast_in_dim3A_35 = vector.broadcast %broadcast_in_dim3A_34 : i32 to vector<16xi32>
    %gather3A_36 = tpu.vector_load_idx %arg4[%iota3A, %broadcast_in_dim3A_35] : memref<16x16xf32, #tpu.memory_space<vmem>>[vector<16xi32>, vector<16xi32>], vector<16xf32>,
    %broadcast_in_dim3A_37 = arith.constant 12 : i32
    %broadcast_in_dim3A_38 = vector.broadcast %broadcast_in_dim3A_37 : i32 to vector<16xi32>
    %gather3A_39 = tpu.vector_load_idx %arg4[%iota3A, %broadcast_in_dim3A_38] : memref<16x16xf32, #tpu.memory_space<vmem>>[vector<16xi32>, vector<16xi32>], vector<16xf32>,
    %broadcast_in_dim3A_40 = arith.constant 13 : i32
    %broadcast_in_dim3A_41 = vector.broadcast %broadcast_in_dim3A_40 : i32 to vector<16xi32>
    %gather3A_42 = tpu.vector_load_idx %arg4[%iota3A, %broadcast_in_dim3A_41] : memref<16x16xf32, #tpu.memory_space<vmem>>[vector<16xi32>, vector<16xi32>], vector<16xf32>,
    %broadcast_in_dim3A_43 = arith.constant 14 : i32
    %broadcast_in_dim3A_44 = vector.broadcast %broadcast_in_dim3A_43 : i32 to vector<16xi32>
    %gather3A_45 = tpu.vector_load_idx %arg4[%iota3A, %broadcast_in_dim3A_44] : memref<16x16xf32, #tpu.memory_space<vmem>>[vector<16xi32>, vector<16xi32>], vector<16xf32>,
    %broadcast_in_dim3A_46 = arith.constant 15 : i32
    %broadcast_in_dim3A_47 = vector.broadcast %broadcast_in_dim3A_46 : i32 to vector<16xi32>
    %gather3A_48 = tpu.vector_load_idx %arg4[%iota3A, %broadcast_in_dim3A_47] : memref<16x16xf32, #tpu.memory_space<vmem>>[vector<16xi32>, vector<16xi32>], vector<16xf32>,
    %max3A = arith.maximumf %gather3A, %gather3A_6 : vector<16xf32>
    %max3A_49 = arith.maximumf %max3A, %gather3A_9 : vector<16xf32>
    %max3A_50 = arith.maximumf %max3A_49, %gather3A_12 : vector<16xf32>
    %max3A_51 = arith.maximumf %max3A_50, %gather3A_15 : vector<16xf32>
    %max3A_52 = arith.maximumf %max3A_51, %gather3A_18 : vector<16xf32>
    %max3A_53 = arith.maximumf %max3A_52, %gather3A_21 : vector<16xf32>
    %max3A_54 = arith.maximumf %max3A_53, %gather3A_24 : vector<16xf32>
    %max3A_55 = arith.maximumf %max3A_54, %gather3A_27 : vector<16xf32>
    %max3A_56 = arith.maximumf %max3A_55, %gather3A_30 : vector<16xf32>
    %max3A_57 = arith.maximumf %max3A_56, %gather3A_33 : vector<16xf32>
    %max3A_58 = arith.maximumf %max3A_57, %gather3A_36 : vector<16xf32>
    %max3A_59 = arith.maximumf %max3A_58, %gather3A_39 : vector<16xf32>
    %max3A_60 = arith.maximumf %max3A_59, %gather3A_42 : vector<16xf32>
    %max3A_61 = arith.maximumf %max3A_60, %gather3A_45 : vector<16xf32>
    %max3A_62 = arith.maximumf %max3A_61, %gather3A_48 : vector<16xf32>
    %sub3A = arith.subf %gather3A, %max3A_62 : vector<16xf32>
    %exp3A = math.exp %sub3A : vector<16xf32>
    %sub3A_63 = arith.subf %gather3A_6, %max3A_62 : vector<16xf32>
    %exp3A_64 = math.exp %sub3A_63 : vector<16xf32>
    %sub3A_65 = arith.subf %gather3A_9, %max3A_62 : vector<16xf32>
    %exp3A_66 = math.exp %sub3A_65 : vector<16xf32>
    %sub3A_67 = arith.subf %gather3A_12, %max3A_62 : vector<16xf32>
    %exp3A_68 = math.exp %sub3A_67 : vector<16xf32>
    %sub3A_69 = arith.subf %gather3A_15, %max3A_62 : vector<16xf32>
    %exp3A_70 = math.exp %sub3A_69 : vector<16xf32>
    %sub3A_71 = arith.subf %gather3A_18, %max3A_62 : vector<16xf32>
    %exp3A_72 = math.exp %sub3A_71 : vector<16xf32>
    %sub3A_73 = arith.subf %gather3A_21, %max3A_62 : vector<16xf32>
    %exp3A_74 = math.exp %sub3A_73 : vector<16xf32>
    %sub3A_75 = arith.subf %gather3A_24, %max3A_62 : vector<16xf32>
    %exp3A_76 = math.exp %sub3A_75 : vector<16xf32>
    %sub3A_77 = arith.subf %gather3A_27, %max3A_62 : vector<16xf32>
    %exp3A_78 = math.exp %sub3A_77 : vector<16xf32>
    %sub3A_79 = arith.subf %gather3A_30, %max3A_62 : vector<16xf32>
    %exp3A_80 = math.exp %sub3A_79 : vector<16xf32>
    %sub3A_81 = arith.subf %gather3A_33, %max3A_62 : vector<16xf32>
    %exp3A_82 = math.exp %sub3A_81 : vector<16xf32>
    %sub3A_83 = arith.subf %gather3A_36, %max3A_62 : vector<16xf32>
    %exp3A_84 = math.exp %sub3A_83 : vector<16xf32>
    %sub3A_85 = arith.subf %gather3A_39, %max3A_62 : vector<16xf32>
    %exp3A_86 = math.exp %sub3A_85 : vector<16xf32>
    %sub3A_87 = arith.subf %gather3A_42, %max3A_62 : vector<16xf32>
    %exp3A_88 = math.exp %sub3A_87 : vector<16xf32>
    %sub3A_89 = arith.subf %gather3A_45, %max3A_62 : vector<16xf32>
    %exp3A_90 = math.exp %sub3A_89 : vector<16xf32>
    %sub3A_91 = arith.subf %gather3A_48, %max3A_62 : vector<16xf32>
    %exp3A_92 = math.exp %sub3A_91 : vector<16xf32>
    %add3A_93 = arith.addf %exp3A, %exp3A_64 : vector<16xf32>
    %add3A_94 = arith.addf %add3A_93, %exp3A_66 : vector<16xf32>
    %add3A_95 = arith.addf %add3A_94, %exp3A_68 : vector<16xf32>
    %add3A_96 = arith.addf %add3A_95, %exp3A_70 : vector<16xf32>
    %add3A_97 = arith.addf %add3A_96, %exp3A_72 : vector<16xf32>
    %add3A_98 = arith.addf %add3A_97, %exp3A_74 : vector<16xf32>
    %add3A_99 = arith.addf %add3A_98, %exp3A_76 : vector<16xf32>
    %add3A_100 = arith.addf %add3A_99, %exp3A_78 : vector<16xf32>
    %add3A_101 = arith.addf %add3A_100, %exp3A_80 : vector<16xf32>
    %add3A_102 = arith.addf %add3A_101, %exp3A_82 : vector<16xf32>
    %add3A_103 = arith.addf %add3A_102, %exp3A_84 : vector<16xf32>
    %add3A_104 = arith.addf %add3A_103, %exp3A_86 : vector<16xf32>
    %add3A_105 = arith.addf %add3A_104, %exp3A_88 : vector<16xf32>
    %add3A_106 = arith.addf %add3A_105, %exp3A_90 : vector<16xf32>
    %add3A_107 = arith.addf %add3A_106, %exp3A_92 : vector<16xf32>
    %div3A = arith.divf %exp3A, %add3A_107 : vector<16xf32>
    %div3A_108 = arith.divf %exp3A_64, %add3A_107 : vector<16xf32>
    %div3A_109 = arith.divf %exp3A_66, %add3A_107 : vector<16xf32>
    %div3A_110 = arith.divf %exp3A_68, %add3A_107 : vector<16xf32>
    %div3A_111 = arith.divf %exp3A_70, %add3A_107 : vector<16xf32>
    %div3A_112 = arith.divf %exp3A_72, %add3A_107 : vector<16xf32>
    %div3A_113 = arith.divf %exp3A_74, %add3A_107 : vector<16xf32>
    %div3A_114 = arith.divf %exp3A_76, %add3A_107 : vector<16xf32>
    %div3A_115 = arith.divf %exp3A_78, %add3A_107 : vector<16xf32>
    %div3A_116 = arith.divf %exp3A_80, %add3A_107 : vector<16xf32>
    %div3A_117 = arith.divf %exp3A_82, %add3A_107 : vector<16xf32>
    %div3A_118 = arith.divf %exp3A_84, %add3A_107 : vector<16xf32>
    %div3A_119 = arith.divf %exp3A_86, %add3A_107 : vector<16xf32>
    %div3A_120 = arith.divf %exp3A_88, %add3A_107 : vector<16xf32>
    %div3A_121 = arith.divf %exp3A_90, %add3A_107 : vector<16xf32>
    %div3A_122 = arith.divf %exp3A_92, %add3A_107 : vector<16xf32>
    %broadcast_in_dim3A_123 = arith.constant 0 : i32
    %broadcast_in_dim3A_124 = vector.broadcast %broadcast_in_dim3A_123 : i32 to vector<16xi32>
    %broadcast_in_dim3A_125 = arith.constant 0 : i32
    %broadcast_in_dim3A_126 = vector.broadcast %broadcast_in_dim3A_125 : i32 to vector<16xi32>
    %broadcast_in_dim3A_127 = arith.constant 0 : i32
    %broadcast_in_dim3A_128 = vector.broadcast %broadcast_in_dim3A_127 : i32 to vector<16xi32>
    %broadcast_in_dim3A_129 = arith.constant 0 : i32
    %broadcast_in_dim3A_130 = vector.broadcast %broadcast_in_dim3A_129 : i32 to vector<16xi32>
    %broadcast_in_dim3A_131 = arith.constant 0 : i32
    %broadcast_in_dim3A_132 = vector.broadcast %broadcast_in_dim3A_131 : i32 to vector<16xi32>
    %broadcast_in_dim3A_133 = arith.constant 0 : i32
    %broadcast_in_dim3A_134 = vector.broadcast %broadcast_in_dim3A_133 : i32 to vector<16xi32>
    %broadcast_in_dim3A_135 = arith.constant 0 : i32
    %broadcast_in_dim3A_136 = vector.broadcast %broadcast_in_dim3A_135 : i32 to vector<16xi32>
    %broadcast_in_dim3A_137 = arith.constant 0 : i32
    %broadcast_in_dim3A_138 = vector.broadcast %broadcast_in_dim3A_137 : i32 to vector<16xi32>
    %broadcast_in_dim3A_139 = arith.constant 0 : i32
    %broadcast_in_dim3A_140 = vector.broadcast %broadcast_in_dim3A_139 : i32 to vector<16xi32>
    %broadcast_in_dim3A_141 = arith.constant 0 : i32
    %broadcast_in_dim3A_142 = vector.broadcast %broadcast_in_dim3A_141 : i32 to vector<16xi32>
    %broadcast_in_dim3A_143 = arith.constant 0 : i32
    %broadcast_in_dim3A_144 = vector.broadcast %broadcast_in_dim3A_143 : i32 to vector<16xi32>
    %broadcast_in_dim3A_145 = arith.constant 0 : i32
    %broadcast_in_dim3A_146 = vector.broadcast %broadcast_in_dim3A_145 : i32 to vector<16xi32>
    %broadcast_in_dim3A_147 = arith.constant 0 : i32
    %broadcast_in_dim3A_148 = vector.broadcast %broadcast_in_dim3A_147 : i32 to vector<16xi32>
    %broadcast_in_dim3A_149 = arith.constant 0 : i32
    %broadcast_in_dim3A_150 = vector.broadcast %broadcast_in_dim3A_149 : i32 to vector<16xi32>
    %broadcast_in_dim3A_151 = arith.constant 0 : i32
    %broadcast_in_dim3A_152 = vector.broadcast %broadcast_in_dim3A_151 : i32 to vector<16xi32>
    %broadcast_in_dim3A_153 = arith.constant 0 : i32
    %broadcast_in_dim3A_154 = vector.broadcast %broadcast_in_dim3A_153 : i32 to vector<16xi32>
    %broadcast_in_dim3A_155 = arith.constant 1 : i32
    %broadcast_in_dim3A_156 = vector.broadcast %broadcast_in_dim3A_155 : i32 to vector<16xi32>
    %ge3A = arith.cmpf oge, %div3A, %div3A_108 : vector<16xf32>
    %convert_element_type3A = arith.extui %ge3A : vector<16xi1> to vector<16xi32>
    %add3A_157 = arith.addi %broadcast_in_dim3A_126, %convert_element_type3A : vector<16xi32>
    %sub3A_158 = arith.subi %broadcast_in_dim3A_156, %convert_element_type3A : vector<16xi32>
    %add3A_159 = arith.addi %broadcast_in_dim3A_124, %sub3A_158 : vector<16xi32>
    %ge3A_160 = arith.cmpf oge, %div3A, %div3A_109 : vector<16xf32>
    %convert_element_type3A_161 = arith.extui %ge3A_160 : vector<16xi1> to vector<16xi32>
    %add3A_162 = arith.addi %broadcast_in_dim3A_128, %convert_element_type3A_161 : vector<16xi32>
    %sub3A_163 = arith.subi %broadcast_in_dim3A_156, %convert_element_type3A_161 : vector<16xi32>
    %add3A_164 = arith.addi %add3A_159, %sub3A_163 : vector<16xi32>
    %ge3A_165 = arith.cmpf oge, %div3A, %div3A_110 : vector<16xf32>
    %convert_element_type3A_166 = arith.extui %ge3A_165 : vector<16xi1> to vector<16xi32>
    %add3A_167 = arith.addi %broadcast_in_dim3A_130, %convert_element_type3A_166 : vector<16xi32>
    %sub3A_168 = arith.subi %broadcast_in_dim3A_156, %convert_element_type3A_166 : vector<16xi32>
    %add3A_169 = arith.addi %add3A_164, %sub3A_168 : vector<16xi32>
    %ge3A_170 = arith.cmpf oge, %div3A, %div3A_111 : vector<16xf32>
    %convert_element_type3A_171 = arith.extui %ge3A_170 : vector<16xi1> to vector<16xi32>
    %add3A_172 = arith.addi %broadcast_in_dim3A_132, %convert_element_type3A_171 : vector<16xi32>
    %sub3A_173 = arith.subi %broadcast_in_dim3A_156, %convert_element_type3A_171 : vector<16xi32>
    %add3A_174 = arith.addi %add3A_169, %sub3A_173 : vector<16xi32>
    %ge3A_175 = arith.cmpf oge, %div3A, %div3A_112 : vector<16xf32>
    %convert_element_type3A_176 = arith.extui %ge3A_175 : vector<16xi1> to vector<16xi32>
    %add3A_177 = arith.addi %broadcast_in_dim3A_134, %convert_element_type3A_176 : vector<16xi32>
    %sub3A_178 = arith.subi %broadcast_in_dim3A_156, %convert_element_type3A_176 : vector<16xi32>
    %add3A_179 = arith.addi %add3A_174, %sub3A_178 : vector<16xi32>
    %ge3A_180 = arith.cmpf oge, %div3A, %div3A_113 : vector<16xf32>
    %convert_element_type3A_181 = arith.extui %ge3A_180 : vector<16xi1> to vector<16xi32>
    %add3A_182 = arith.addi %broadcast_in_dim3A_136, %convert_element_type3A_181 : vector<16xi32>
    %sub3A_183 = arith.subi %broadcast_in_dim3A_156, %convert_element_type3A_181 : vector<16xi32>
    %add3A_184 = arith.addi %add3A_179, %sub3A_183 : vector<16xi32>
    %ge3A_185 = arith.cmpf oge, %div3A, %div3A_114 : vector<16xf32>
    %convert_element_type3A_186 = arith.extui %ge3A_185 : vector<16xi1> to vector<16xi32>
    %add3A_187 = arith.addi %broadcast_in_dim3A_138, %convert_element_type3A_186 : vector<16xi32>
    %sub3A_188 = arith.subi %broadcast_in_dim3A_156, %convert_element_type3A_186 : vector<16xi32>
    %add3A_189 = arith.addi %add3A_184, %sub3A_188 : vector<16xi32>
    %ge3A_190 = arith.cmpf oge, %div3A, %div3A_115 : vector<16xf32>
    %convert_element_type3A_191 = arith.extui %ge3A_190 : vector<16xi1> to vector<16xi32>
    %add3A_192 = arith.addi %broadcast_in_dim3A_140, %convert_element_type3A_191 : vector<16xi32>
    %sub3A_193 = arith.subi %broadcast_in_dim3A_156, %convert_element_type3A_191 : vector<16xi32>
    %add3A_194 = arith.addi %add3A_189, %sub3A_193 : vector<16xi32>
    %ge3A_195 = arith.cmpf oge, %div3A, %div3A_116 : vector<16xf32>
    %convert_element_type3A_196 = arith.extui %ge3A_195 : vector<16xi1> to vector<16xi32>
    %add3A_197 = arith.addi %broadcast_in_dim3A_142, %convert_element_type3A_196 : vector<16xi32>
    %sub3A_198 = arith.subi %broadcast_in_dim3A_156, %convert_element_type3A_196 : vector<16xi32>
    %add3A_199 = arith.addi %add3A_194, %sub3A_198 : vector<16xi32>
    %ge3A_200 = arith.cmpf oge, %div3A, %div3A_117 : vector<16xf32>
    %convert_element_type3A_201 = arith.extui %ge3A_200 : vector<16xi1> to vector<16xi32>
    %add3A_202 = arith.addi %broadcast_in_dim3A_144, %convert_element_type3A_201 : vector<16xi32>
    %sub3A_203 = arith.subi %broadcast_in_dim3A_156, %convert_element_type3A_201 : vector<16xi32>
    %add3A_204 = arith.addi %add3A_199, %sub3A_203 : vector<16xi32>
    %ge3A_205 = arith.cmpf oge, %div3A, %div3A_118 : vector<16xf32>
    %convert_element_type3A_206 = arith.extui %ge3A_205 : vector<16xi1> to vector<16xi32>
    %add3A_207 = arith.addi %broadcast_in_dim3A_146, %convert_element_type3A_206 : vector<16xi32>
    %sub3A_208 = arith.subi %broadcast_in_dim3A_156, %convert_element_type3A_206 : vector<16xi32>
    %add3A_209 = arith.addi %add3A_204, %sub3A_208 : vector<16xi32>
    %ge3A_210 = arith.cmpf oge, %div3A, %div3A_119 : vector<16xf32>
    %convert_element_type3A_211 = arith.extui %ge3A_210 : vector<16xi1> to vector<16xi32>
    %add3A_212 = arith.addi %broadcast_in_dim3A_148, %convert_element_type3A_211 : vector<16xi32>
    %sub3A_213 = arith.subi %broadcast_in_dim3A_156, %convert_element_type3A_211 : vector<16xi32>
    %add3A_214 = arith.addi %add3A_209, %sub3A_213 : vector<16xi32>
    %ge3A_215 = arith.cmpf oge, %div3A, %div3A_120 : vector<16xf32>
    %convert_element_type3A_216 = arith.extui %ge3A_215 : vector<16xi1> to vector<16xi32>
    %add3A_217 = arith.addi %broadcast_in_dim3A_150, %convert_element_type3A_216 : vector<16xi32>
    %sub3A_218 = arith.subi %broadcast_in_dim3A_156, %convert_element_type3A_216 : vector<16xi32>
    %add3A_219 = arith.addi %add3A_214, %sub3A_218 : vector<16xi32>
    %ge3A_220 = arith.cmpf oge, %div3A, %div3A_121 : vector<16xf32>
    %convert_element_type3A_221 = arith.extui %ge3A_220 : vector<16xi1> to vector<16xi32>
    %add3A_222 = arith.addi %broadcast_in_dim3A_152, %convert_element_type3A_221 : vector<16xi32>
    %sub3A_223 = arith.subi %broadcast_in_dim3A_156, %convert_element_type3A_221 : vector<16xi32>
    %add3A_224 = arith.addi %add3A_219, %sub3A_223 : vector<16xi32>
    %ge3A_225 = arith.cmpf oge, %div3A, %div3A_122 : vector<16xf32>
    %convert_element_type3A_226 = arith.extui %ge3A_225 : vector<16xi1> to vector<16xi32>
    %add3A_227 = arith.addi %broadcast_in_dim3A_154, %convert_element_type3A_226 : vector<16xi32>
    %sub3A_228 = arith.subi %broadcast_in_dim3A_156, %convert_element_type3A_226 : vector<16xi32>
    %add3A_229 = arith.addi %add3A_224, %sub3A_228 : vector<16xi32>
    %ge3A_230 = arith.cmpf oge, %div3A_108, %div3A_109 : vector<16xf32>
    %convert_element_type3A_231 = arith.extui %ge3A_230 : vector<16xi1> to vector<16xi32>
    %add3A_232 = arith.addi %add3A_162, %convert_element_type3A_231 : vector<16xi32>
    %sub3A_233 = arith.subi %broadcast_in_dim3A_156, %convert_element_type3A_231 : vector<16xi32>
    %add3A_234 = arith.addi %add3A_157, %sub3A_233 : vector<16xi32>
    %ge3A_235 = arith.cmpf oge, %div3A_108, %div3A_110 : vector<16xf32>
    %convert_element_type3A_236 = arith.extui %ge3A_235 : vector<16xi1> to vector<16xi32>
    %add3A_237 = arith.addi %add3A_167, %convert_element_type3A_236 : vector<16xi32>
    %sub3A_238 = arith.subi %broadcast_in_dim3A_156, %convert_element_type3A_236 : vector<16xi32>
    %add3A_239 = arith.addi %add3A_234, %sub3A_238 : vector<16xi32>
    %ge3A_240 = arith.cmpf oge, %div3A_108, %div3A_111 : vector<16xf32>
    %convert_element_type3A_241 = arith.extui %ge3A_240 : vector<16xi1> to vector<16xi32>
    %add3A_242 = arith.addi %add3A_172, %convert_element_type3A_241 : vector<16xi32>
    %sub3A_243 = arith.subi %broadcast_in_dim3A_156, %convert_element_type3A_241 : vector<16xi32>
    %add3A_244 = arith.addi %add3A_239, %sub3A_243 : vector<16xi32>
    %ge3A_245 = arith.cmpf oge, %div3A_108, %div3A_112 : vector<16xf32>
    %convert_element_type3A_246 = arith.extui %ge3A_245 : vector<16xi1> to vector<16xi32>
    %add3A_247 = arith.addi %add3A_177, %convert_element_type3A_246 : vector<16xi32>
    %sub3A_248 = arith.subi %broadcast_in_dim3A_156, %convert_element_type3A_246 : vector<16xi32>
    %add3A_249 = arith.addi %add3A_244, %sub3A_248 : vector<16xi32>
    %ge3A_250 = arith.cmpf oge, %div3A_108, %div3A_113 : vector<16xf32>
    %convert_element_type3A_251 = arith.extui %ge3A_250 : vector<16xi1> to vector<16xi32>
    %add3A_252 = arith.addi %add3A_182, %convert_element_type3A_251 : vector<16xi32>
    %sub3A_253 = arith.subi %broadcast_in_dim3A_156, %convert_element_type3A_251 : vector<16xi32>
    %add3A_254 = arith.addi %add3A_249, %sub3A_253 : vector<16xi32>
    %ge3A_255 = arith.cmpf oge, %div3A_108, %div3A_114 : vector<16xf32>
    %convert_element_type3A_256 = arith.extui %ge3A_255 : vector<16xi1> to vector<16xi32>
    %add3A_257 = arith.addi %add3A_187, %convert_element_type3A_256 : vector<16xi32>
    %sub3A_258 = arith.subi %broadcast_in_dim3A_156, %convert_element_type3A_256 : vector<16xi32>
    %add3A_259 = arith.addi %add3A_254, %sub3A_258 : vector<16xi32>
    %ge3A_260 = arith.cmpf oge, %div3A_108, %div3A_115 : vector<16xf32>
    %convert_element_type3A_261 = arith.extui %ge3A_260 : vector<16xi1> to vector<16xi32>
    %add3A_262 = arith.addi %add3A_192, %convert_element_type3A_261 : vector<16xi32>
    %sub3A_263 = arith.subi %broadcast_in_dim3A_156, %convert_element_type3A_261 : vector<16xi32>
    %add3A_264 = arith.addi %add3A_259, %sub3A_263 : vector<16xi32>
    %ge3A_265 = arith.cmpf oge, %div3A_108, %div3A_116 : vector<16xf32>
    %convert_element_type3A_266 = arith.extui %ge3A_265 : vector<16xi1> to vector<16xi32>
    %add3A_267 = arith.addi %add3A_197, %convert_element_type3A_266 : vector<16xi32>
    %sub3A_268 = arith.subi %broadcast_in_dim3A_156, %convert_element_type3A_266 : vector<16xi32>
    %add3A_269 = arith.addi %add3A_264, %sub3A_268 : vector<16xi32>
    %ge3A_270 = arith.cmpf oge, %div3A_108, %div3A_117 : vector<16xf32>
    %convert_element_type3A_271 = arith.extui %ge3A_270 : vector<16xi1> to vector<16xi32>
    %add3A_272 = arith.addi %add3A_202, %convert_element_type3A_271 : vector<16xi32>
    %sub3A_273 = arith.subi %broadcast_in_dim3A_156, %convert_element_type3A_271 : vector<16xi32>
    %add3A_274 = arith.addi %add3A_269, %sub3A_273 : vector<16xi32>
    %ge3A_275 = arith.cmpf oge, %div3A_108, %div3A_118 : vector<16xf32>
    %convert_element_type3A_276 = arith.extui %ge3A_275 : vector<16xi1> to vector<16xi32>
    %add3A_277 = arith.addi %add3A_207, %convert_element_type3A_276 : vector<16xi32>
    %sub3A_278 = arith.subi %broadcast_in_dim3A_156, %convert_element_type3A_276 : vector<16xi32>
    %add3A_279 = arith.addi %add3A_274, %sub3A_278 : vector<16xi32>
    %ge3A_280 = arith.cmpf oge, %div3A_108, %div3A_119 : vector<16xf32>
    %convert_element_type3A_281 = arith.extui %ge3A_280 : vector<16xi1> to vector<16xi32>
    %add3A_282 = arith.addi %add3A_212, %convert_element_type3A_281 : vector<16xi32>
    %sub3A_283 = arith.subi %broadcast_in_dim3A_156, %convert_element_type3A_281 : vector<16xi32>
    %add3A_284 = arith.addi %add3A_279, %sub3A_283 : vector<16xi32>
    %ge3A_285 = arith.cmpf oge, %div3A_108, %div3A_120 : vector<16xf32>
    %convert_element_type3A_286 = arith.extui %ge3A_285 : vector<16xi1> to vector<16xi32>
    %add3A_287 = arith.addi %add3A_217, %convert_element_type3A_286 : vector<16xi32>
    %sub3A_288 = arith.subi %broadcast_in_dim3A_156, %convert_element_type3A_286 : vector<16xi32>
    %add3A_289 = arith.addi %add3A_284, %sub3A_288 : vector<16xi32>
    %ge3A_290 = arith.cmpf oge, %div3A_108, %div3A_121 : vector<16xf32>
    %convert_element_type3A_291 = arith.extui %ge3A_290 : vector<16xi1> to vector<16xi32>
    %add3A_292 = arith.addi %add3A_222, %convert_element_type3A_291 : vector<16xi32>
    %sub3A_293 = arith.subi %broadcast_in_dim3A_156, %convert_element_type3A_291 : vector<16xi32>
    %add3A_294 = arith.addi %add3A_289, %sub3A_293 : vector<16xi32>
    %ge3A_295 = arith.cmpf oge, %div3A_108, %div3A_122 : vector<16xf32>
    %convert_element_type3A_296 = arith.extui %ge3A_295 : vector<16xi1> to vector<16xi32>
    %add3A_297 = arith.addi %add3A_227, %convert_element_type3A_296 : vector<16xi32>
    %sub3A_298 = arith.subi %broadcast_in_dim3A_156, %convert_element_type3A_296 : vector<16xi32>
    %add3A_299 = arith.addi %add3A_294, %sub3A_298 : vector<16xi32>
    %ge3A_300 = arith.cmpf oge, %div3A_109, %div3A_110 : vector<16xf32>
    %convert_element_type3A_301 = arith.extui %ge3A_300 : vector<16xi1> to vector<16xi32>
    %add3A_302 = arith.addi %add3A_237, %convert_element_type3A_301 : vector<16xi32>
    %sub3A_303 = arith.subi %broadcast_in_dim3A_156, %convert_element_type3A_301 : vector<16xi32>
    %add3A_304 = arith.addi %add3A_232, %sub3A_303 : vector<16xi32>
    %ge3A_305 = arith.cmpf oge, %div3A_109, %div3A_111 : vector<16xf32>
    %convert_element_type3A_306 = arith.extui %ge3A_305 : vector<16xi1> to vector<16xi32>
    %add3A_307 = arith.addi %add3A_242, %convert_element_type3A_306 : vector<16xi32>
    %sub3A_308 = arith.subi %broadcast_in_dim3A_156, %convert_element_type3A_306 : vector<16xi32>
    %add3A_309 = arith.addi %add3A_304, %sub3A_308 : vector<16xi32>
    %ge3A_310 = arith.cmpf oge, %div3A_109, %div3A_112 : vector<16xf32>
    %convert_element_type3A_311 = arith.extui %ge3A_310 : vector<16xi1> to vector<16xi32>
    %add3A_312 = arith.addi %add3A_247, %convert_element_type3A_311 : vector<16xi32>
    %sub3A_313 = arith.subi %broadcast_in_dim3A_156, %convert_element_type3A_311 : vector<16xi32>
    %add3A_314 = arith.addi %add3A_309, %sub3A_313 : vector<16xi32>
    %ge3A_315 = arith.cmpf oge, %div3A_109, %div3A_113 : vector<16xf32>
    %convert_element_type3A_316 = arith.extui %ge3A_315 : vector<16xi1> to vector<16xi32>
    %add3A_317 = arith.addi %add3A_252, %convert_element_type3A_316 : vector<16xi32>
    %sub3A_318 = arith.subi %broadcast_in_dim3A_156, %convert_element_type3A_316 : vector<16xi32>
    %add3A_319 = arith.addi %add3A_314, %sub3A_318 : vector<16xi32>
    %ge3A_320 = arith.cmpf oge, %div3A_109, %div3A_114 : vector<16xf32>
    %convert_element_type3A_321 = arith.extui %ge3A_320 : vector<16xi1> to vector<16xi32>
    %add3A_322 = arith.addi %add3A_257, %convert_element_type3A_321 : vector<16xi32>
    %sub3A_323 = arith.subi %broadcast_in_dim3A_156, %convert_element_type3A_321 : vector<16xi32>
    %add3A_324 = arith.addi %add3A_319, %sub3A_323 : vector<16xi32>
    %ge3A_325 = arith.cmpf oge, %div3A_109, %div3A_115 : vector<16xf32>
    %convert_element_type3A_326 = arith.extui %ge3A_325 : vector<16xi1> to vector<16xi32>
    %add3A_327 = arith.addi %add3A_262, %convert_element_type3A_326 : vector<16xi32>
    %sub3A_328 = arith.subi %broadcast_in_dim3A_156, %convert_element_type3A_326 : vector<16xi32>
    %add3A_329 = arith.addi %add3A_324, %sub3A_328 : vector<16xi32>
    %ge3A_330 = arith.cmpf oge, %div3A_109, %div3A_116 : vector<16xf32>
    %convert_element_type3A_331 = arith.extui %ge3A_330 : vector<16xi1> to vector<16xi32>
    %add3A_332 = arith.addi %add3A_267, %convert_element_type3A_331 : vector<16xi32>
    %sub3A_333 = arith.subi %broadcast_in_dim3A_156, %convert_element_type3A_331 : vector<16xi32>
    %add3A_334 = arith.addi %add3A_329, %sub3A_333 : vector<16xi32>
    %ge3A_335 = arith.cmpf oge, %div3A_109, %div3A_117 : vector<16xf32>
    %convert_element_type3A_336 = arith.extui %ge3A_335 : vector<16xi1> to vector<16xi32>
    %add3A_337 = arith.addi %add3A_272, %convert_element_type3A_336 : vector<16xi32>
    %sub3A_338 = arith.subi %broadcast_in_dim3A_156, %convert_element_type3A_336 : vector<16xi32>
    %add3A_339 = arith.addi %add3A_334, %sub3A_338 : vector<16xi32>
    %ge3A_340 = arith.cmpf oge, %div3A_109, %div3A_118 : vector<16xf32>
    %convert_element_type3A_341 = arith.extui %ge3A_340 : vector<16xi1> to vector<16xi32>
    %add3A_342 = arith.addi %add3A_277, %convert_element_type3A_341 : vector<16xi32>
    %sub3A_343 = arith.subi %broadcast_in_dim3A_156, %convert_element_type3A_341 : vector<16xi32>
    %add3A_344 = arith.addi %add3A_339, %sub3A_343 : vector<16xi32>
    %ge3A_345 = arith.cmpf oge, %div3A_109, %div3A_119 : vector<16xf32>
    %convert_element_type3A_346 = arith.extui %ge3A_345 : vector<16xi1> to vector<16xi32>
    %add3A_347 = arith.addi %add3A_282, %convert_element_type3A_346 : vector<16xi32>
    %sub3A_348 = arith.subi %broadcast_in_dim3A_156, %convert_element_type3A_346 : vector<16xi32>
    %add3A_349 = arith.addi %add3A_344, %sub3A_348 : vector<16xi32>
    %ge3A_350 = arith.cmpf oge, %div3A_109, %div3A_120 : vector<16xf32>
    %convert_element_type3A_351 = arith.extui %ge3A_350 : vector<16xi1> to vector<16xi32>
    %add3A_352 = arith.addi %add3A_287, %convert_element_type3A_351 : vector<16xi32>
    %sub3A_353 = arith.subi %broadcast_in_dim3A_156, %convert_element_type3A_351 : vector<16xi32>
    %add3A_354 = arith.addi %add3A_349, %sub3A_353 : vector<16xi32>
    %ge3A_355 = arith.cmpf oge, %div3A_109, %div3A_121 : vector<16xf32>
    %convert_element_type3A_356 = arith.extui %ge3A_355 : vector<16xi1> to vector<16xi32>
    %add3A_357 = arith.addi %add3A_292, %convert_element_type3A_356 : vector<16xi32>
    %sub3A_358 = arith.subi %broadcast_in_dim3A_156, %convert_element_type3A_356 : vector<16xi32>
    %add3A_359 = arith.addi %add3A_354, %sub3A_358 : vector<16xi32>
    %ge3A_360 = arith.cmpf oge, %div3A_109, %div3A_122 : vector<16xf32>
    %convert_element_type3A_361 = arith.extui %ge3A_360 : vector<16xi1> to vector<16xi32>
    %add3A_362 = arith.addi %add3A_297, %convert_element_type3A_361 : vector<16xi32>
    %sub3A_363 = arith.subi %broadcast_in_dim3A_156, %convert_element_type3A_361 : vector<16xi32>
    %add3A_364 = arith.addi %add3A_359, %sub3A_363 : vector<16xi32>
    %ge3A_365 = arith.cmpf oge, %div3A_110, %div3A_111 : vector<16xf32>
    %convert_element_type3A_366 = arith.extui %ge3A_365 : vector<16xi1> to vector<16xi32>
    %add3A_367 = arith.addi %add3A_307, %convert_element_type3A_366 : vector<16xi32>
    %sub3A_368 = arith.subi %broadcast_in_dim3A_156, %convert_element_type3A_366 : vector<16xi32>
    %add3A_369 = arith.addi %add3A_302, %sub3A_368 : vector<16xi32>
    %ge3A_370 = arith.cmpf oge, %div3A_110, %div3A_112 : vector<16xf32>
    %convert_element_type3A_371 = arith.extui %ge3A_370 : vector<16xi1> to vector<16xi32>
    %add3A_372 = arith.addi %add3A_312, %convert_element_type3A_371 : vector<16xi32>
    %sub3A_373 = arith.subi %broadcast_in_dim3A_156, %convert_element_type3A_371 : vector<16xi32>
    %add3A_374 = arith.addi %add3A_369, %sub3A_373 : vector<16xi32>
    %ge3A_375 = arith.cmpf oge, %div3A_110, %div3A_113 : vector<16xf32>
    %convert_element_type3A_376 = arith.extui %ge3A_375 : vector<16xi1> to vector<16xi32>
    %add3A_377 = arith.addi %add3A_317, %convert_element_type3A_376 : vector<16xi32>
    %sub3A_378 = arith.subi %broadcast_in_dim3A_156, %convert_element_type3A_376 : vector<16xi32>
    %add3A_379 = arith.addi %add3A_374, %sub3A_378 : vector<16xi32>
    %ge3A_380 = arith.cmpf oge, %div3A_110, %div3A_114 : vector<16xf32>
    %convert_element_type3A_381 = arith.extui %ge3A_380 : vector<16xi1> to vector<16xi32>
    %add3A_382 = arith.addi %add3A_322, %convert_element_type3A_381 : vector<16xi32>
    %sub3A_383 = arith.subi %broadcast_in_dim3A_156, %convert_element_type3A_381 : vector<16xi32>
    %add3A_384 = arith.addi %add3A_379, %sub3A_383 : vector<16xi32>
    %ge3A_385 = arith.cmpf oge, %div3A_110, %div3A_115 : vector<16xf32>
    %convert_element_type3A_386 = arith.extui %ge3A_385 : vector<16xi1> to vector<16xi32>
    %add3A_387 = arith.addi %add3A_327, %convert_element_type3A_386 : vector<16xi32>
    %sub3A_388 = arith.subi %broadcast_in_dim3A_156, %convert_element_type3A_386 : vector<16xi32>
    %add3A_389 = arith.addi %add3A_384, %sub3A_388 : vector<16xi32>
    %ge3A_390 = arith.cmpf oge, %div3A_110, %div3A_116 : vector<16xf32>
    %convert_element_type3A_391 = arith.extui %ge3A_390 : vector<16xi1> to vector<16xi32>
    %add3A_392 = arith.addi %add3A_332, %convert_element_type3A_391 : vector<16xi32>
    %sub3A_393 = arith.subi %broadcast_in_dim3A_156, %convert_element_type3A_391 : vector<16xi32>
    %add3A_394 = arith.addi %add3A_389, %sub3A_393 : vector<16xi32>
    %ge3A_395 = arith.cmpf oge, %div3A_110, %div3A_117 : vector<16xf32>
    %convert_element_type3A_396 = arith.extui %ge3A_395 : vector<16xi1> to vector<16xi32>
    %add3A_397 = arith.addi %add3A_337, %convert_element_type3A_396 : vector<16xi32>
    %sub3A_398 = arith.subi %broadcast_in_dim3A_156, %convert_element_type3A_396 : vector<16xi32>
    %add3A_399 = arith.addi %add3A_394, %sub3A_398 : vector<16xi32>
    %ge3A_400 = arith.cmpf oge, %div3A_110, %div3A_118 : vector<16xf32>
    %convert_element_type3A_401 = arith.extui %ge3A_400 : vector<16xi1> to vector<16xi32>
    %add3A_402 = arith.addi %add3A_342, %convert_element_type3A_401 : vector<16xi32>
    %sub3A_403 = arith.subi %broadcast_in_dim3A_156, %convert_element_type3A_401 : vector<16xi32>
    %add3A_404 = arith.addi %add3A_399, %sub3A_403 : vector<16xi32>
    %ge3A_405 = arith.cmpf oge, %div3A_110, %div3A_119 : vector<16xf32>
    %convert_element_type3A_406 = arith.extui %ge3A_405 : vector<16xi1> to vector<16xi32>
    %add3A_407 = arith.addi %add3A_347, %convert_element_type3A_406 : vector<16xi32>
    %sub3A_408 = arith.subi %broadcast_in_dim3A_156, %convert_element_type3A_406 : vector<16xi32>
    %add3A_409 = arith.addi %add3A_404, %sub3A_408 : vector<16xi32>
    %ge3A_410 = arith.cmpf oge, %div3A_110, %div3A_120 : vector<16xf32>
    %convert_element_type3A_411 = arith.extui %ge3A_410 : vector<16xi1> to vector<16xi32>
    %add3A_412 = arith.addi %add3A_352, %convert_element_type3A_411 : vector<16xi32>
    %sub3A_413 = arith.subi %broadcast_in_dim3A_156, %convert_element_type3A_411 : vector<16xi32>
    %add3A_414 = arith.addi %add3A_409, %sub3A_413 : vector<16xi32>
    %ge3A_415 = arith.cmpf oge, %div3A_110, %div3A_121 : vector<16xf32>
    %convert_element_type3A_416 = arith.extui %ge3A_415 : vector<16xi1> to vector<16xi32>
    %add3A_417 = arith.addi %add3A_357, %convert_element_type3A_416 : vector<16xi32>
    %sub3A_418 = arith.subi %broadcast_in_dim3A_156, %convert_element_type3A_416 : vector<16xi32>
    %add3A_419 = arith.addi %add3A_414, %sub3A_418 : vector<16xi32>
    %ge3A_420 = arith.cmpf oge, %div3A_110, %div3A_122 : vector<16xf32>
    %convert_element_type3A_421 = arith.extui %ge3A_420 : vector<16xi1> to vector<16xi32>
    %add3A_422 = arith.addi %add3A_362, %convert_element_type3A_421 : vector<16xi32>
    %sub3A_423 = arith.subi %broadcast_in_dim3A_156, %convert_element_type3A_421 : vector<16xi32>
    %add3A_424 = arith.addi %add3A_419, %sub3A_423 : vector<16xi32>
    %ge3A_425 = arith.cmpf oge, %div3A_111, %div3A_112 : vector<16xf32>
    %convert_element_type3A_426 = arith.extui %ge3A_425 : vector<16xi1> to vector<16xi32>
    %add3A_427 = arith.addi %add3A_372, %convert_element_type3A_426 : vector<16xi32>
    %sub3A_428 = arith.subi %broadcast_in_dim3A_156, %convert_element_type3A_426 : vector<16xi32>
    %add3A_429 = arith.addi %add3A_367, %sub3A_428 : vector<16xi32>
    %ge3A_430 = arith.cmpf oge, %div3A_111, %div3A_113 : vector<16xf32>
    %convert_element_type3A_431 = arith.extui %ge3A_430 : vector<16xi1> to vector<16xi32>
    %add3A_432 = arith.addi %add3A_377, %convert_element_type3A_431 : vector<16xi32>
    %sub3A_433 = arith.subi %broadcast_in_dim3A_156, %convert_element_type3A_431 : vector<16xi32>
    %add3A_434 = arith.addi %add3A_429, %sub3A_433 : vector<16xi32>
    %ge3A_435 = arith.cmpf oge, %div3A_111, %div3A_114 : vector<16xf32>
    %convert_element_type3A_436 = arith.extui %ge3A_435 : vector<16xi1> to vector<16xi32>
    %add3A_437 = arith.addi %add3A_382, %convert_element_type3A_436 : vector<16xi32>
    %sub3A_438 = arith.subi %broadcast_in_dim3A_156, %convert_element_type3A_436 : vector<16xi32>
    %add3A_439 = arith.addi %add3A_434, %sub3A_438 : vector<16xi32>
    %ge3A_440 = arith.cmpf oge, %div3A_111, %div3A_115 : vector<16xf32>
    %convert_element_type3A_441 = arith.extui %ge3A_440 : vector<16xi1> to vector<16xi32>
    %add3A_442 = arith.addi %add3A_387, %convert_element_type3A_441 : vector<16xi32>
    %sub3A_443 = arith.subi %broadcast_in_dim3A_156, %convert_element_type3A_441 : vector<16xi32>
    %add3A_444 = arith.addi %add3A_439, %sub3A_443 : vector<16xi32>
    %ge3A_445 = arith.cmpf oge, %div3A_111, %div3A_116 : vector<16xf32>
    %convert_element_type3A_446 = arith.extui %ge3A_445 : vector<16xi1> to vector<16xi32>
    %add3A_447 = arith.addi %add3A_392, %convert_element_type3A_446 : vector<16xi32>
    %sub3A_448 = arith.subi %broadcast_in_dim3A_156, %convert_element_type3A_446 : vector<16xi32>
    %add3A_449 = arith.addi %add3A_444, %sub3A_448 : vector<16xi32>
    %ge3A_450 = arith.cmpf oge, %div3A_111, %div3A_117 : vector<16xf32>
    %convert_element_type3A_451 = arith.extui %ge3A_450 : vector<16xi1> to vector<16xi32>
    %add3A_452 = arith.addi %add3A_397, %convert_element_type3A_451 : vector<16xi32>
    %sub3A_453 = arith.subi %broadcast_in_dim3A_156, %convert_element_type3A_451 : vector<16xi32>
    %add3A_454 = arith.addi %add3A_449, %sub3A_453 : vector<16xi32>
    %ge3A_455 = arith.cmpf oge, %div3A_111, %div3A_118 : vector<16xf32>
    %convert_element_type3A_456 = arith.extui %ge3A_455 : vector<16xi1> to vector<16xi32>
    %add3A_457 = arith.addi %add3A_402, %convert_element_type3A_456 : vector<16xi32>
    %sub3A_458 = arith.subi %broadcast_in_dim3A_156, %convert_element_type3A_456 : vector<16xi32>
    %add3A_459 = arith.addi %add3A_454, %sub3A_458 : vector<16xi32>
    %ge3A_460 = arith.cmpf oge, %div3A_111, %div3A_119 : vector<16xf32>
    %convert_element_type3A_461 = arith.extui %ge3A_460 : vector<16xi1> to vector<16xi32>
    %add3A_462 = arith.addi %add3A_407, %convert_element_type3A_461 : vector<16xi32>
    %sub3A_463 = arith.subi %broadcast_in_dim3A_156, %convert_element_type3A_461 : vector<16xi32>
    %add3A_464 = arith.addi %add3A_459, %sub3A_463 : vector<16xi32>
    %ge3A_465 = arith.cmpf oge, %div3A_111, %div3A_120 : vector<16xf32>
    %convert_element_type3A_466 = arith.extui %ge3A_465 : vector<16xi1> to vector<16xi32>
    %add3A_467 = arith.addi %add3A_412, %convert_element_type3A_466 : vector<16xi32>
    %sub3A_468 = arith.subi %broadcast_in_dim3A_156, %convert_element_type3A_466 : vector<16xi32>
    %add3A_469 = arith.addi %add3A_464, %sub3A_468 : vector<16xi32>
    %ge3A_470 = arith.cmpf oge, %div3A_111, %div3A_121 : vector<16xf32>
    %convert_element_type3A_471 = arith.extui %ge3A_470 : vector<16xi1> to vector<16xi32>
    %add3A_472 = arith.addi %add3A_417, %convert_element_type3A_471 : vector<16xi32>
    %sub3A_473 = arith.subi %broadcast_in_dim3A_156, %convert_element_type3A_471 : vector<16xi32>
    %add3A_474 = arith.addi %add3A_469, %sub3A_473 : vector<16xi32>
    %ge3A_475 = arith.cmpf oge, %div3A_111, %div3A_122 : vector<16xf32>
    %convert_element_type3A_476 = arith.extui %ge3A_475 : vector<16xi1> to vector<16xi32>
    %add3A_477 = arith.addi %add3A_422, %convert_element_type3A_476 : vector<16xi32>
    %sub3A_478 = arith.subi %broadcast_in_dim3A_156, %convert_element_type3A_476 : vector<16xi32>
    %add3A_479 = arith.addi %add3A_474, %sub3A_478 : vector<16xi32>
    %ge3A_480 = arith.cmpf oge, %div3A_112, %div3A_113 : vector<16xf32>
    %convert_element_type3A_481 = arith.extui %ge3A_480 : vector<16xi1> to vector<16xi32>
    %add3A_482 = arith.addi %add3A_432, %convert_element_type3A_481 : vector<16xi32>
    %sub3A_483 = arith.subi %broadcast_in_dim3A_156, %convert_element_type3A_481 : vector<16xi32>
    %add3A_484 = arith.addi %add3A_427, %sub3A_483 : vector<16xi32>
    %ge3A_485 = arith.cmpf oge, %div3A_112, %div3A_114 : vector<16xf32>
    %convert_element_type3A_486 = arith.extui %ge3A_485 : vector<16xi1> to vector<16xi32>
    %add3A_487 = arith.addi %add3A_437, %convert_element_type3A_486 : vector<16xi32>
    %sub3A_488 = arith.subi %broadcast_in_dim3A_156, %convert_element_type3A_486 : vector<16xi32>
    %add3A_489 = arith.addi %add3A_484, %sub3A_488 : vector<16xi32>
    %ge3A_490 = arith.cmpf oge, %div3A_112, %div3A_115 : vector<16xf32>
    %convert_element_type3A_491 = arith.extui %ge3A_490 : vector<16xi1> to vector<16xi32>
    %add3A_492 = arith.addi %add3A_442, %convert_element_type3A_491 : vector<16xi32>
    %sub3A_493 = arith.subi %broadcast_in_dim3A_156, %convert_element_type3A_491 : vector<16xi32>
    %add3A_494 = arith.addi %add3A_489, %sub3A_493 : vector<16xi32>
    %ge3A_495 = arith.cmpf oge, %div3A_112, %div3A_116 : vector<16xf32>
    %convert_element_type3A_496 = arith.extui %ge3A_495 : vector<16xi1> to vector<16xi32>
    %add3A_497 = arith.addi %add3A_447, %convert_element_type3A_496 : vector<16xi32>
    %sub3A_498 = arith.subi %broadcast_in_dim3A_156, %convert_element_type3A_496 : vector<16xi32>
    %add3A_499 = arith.addi %add3A_494, %sub3A_498 : vector<16xi32>
    %ge3A_500 = arith.cmpf oge, %div3A_112, %div3A_117 : vector<16xf32>
    %convert_element_type3A_501 = arith.extui %ge3A_500 : vector<16xi1> to vector<16xi32>
    %add3A_502 = arith.addi %add3A_452, %convert_element_type3A_501 : vector<16xi32>
    %sub3A_503 = arith.subi %broadcast_in_dim3A_156, %convert_element_type3A_501 : vector<16xi32>
    %add3A_504 = arith.addi %add3A_499, %sub3A_503 : vector<16xi32>
    %ge3A_505 = arith.cmpf oge, %div3A_112, %div3A_118 : vector<16xf32>
    %convert_element_type3A_506 = arith.extui %ge3A_505 : vector<16xi1> to vector<16xi32>
    %add3A_507 = arith.addi %add3A_457, %convert_element_type3A_506 : vector<16xi32>
    %sub3A_508 = arith.subi %broadcast_in_dim3A_156, %convert_element_type3A_506 : vector<16xi32>
    %add3A_509 = arith.addi %add3A_504, %sub3A_508 : vector<16xi32>
    %ge3A_510 = arith.cmpf oge, %div3A_112, %div3A_119 : vector<16xf32>
    %convert_element_type3A_511 = arith.extui %ge3A_510 : vector<16xi1> to vector<16xi32>
    %add3A_512 = arith.addi %add3A_462, %convert_element_type3A_511 : vector<16xi32>
    %sub3A_513 = arith.subi %broadcast_in_dim3A_156, %convert_element_type3A_511 : vector<16xi32>
    %add3A_514 = arith.addi %add3A_509, %sub3A_513 : vector<16xi32>
    %ge3A_515 = arith.cmpf oge, %div3A_112, %div3A_120 : vector<16xf32>
    %convert_element_type3A_516 = arith.extui %ge3A_515 : vector<16xi1> to vector<16xi32>
    %add3A_517 = arith.addi %add3A_467, %convert_element_type3A_516 : vector<16xi32>
    %sub3A_518 = arith.subi %broadcast_in_dim3A_156, %convert_element_type3A_516 : vector<16xi32>
    %add3A_519 = arith.addi %add3A_514, %sub3A_518 : vector<16xi32>
    %ge3A_520 = arith.cmpf oge, %div3A_112, %div3A_121 : vector<16xf32>
    %convert_element_type3A_521 = arith.extui %ge3A_520 : vector<16xi1> to vector<16xi32>
    %add3A_522 = arith.addi %add3A_472, %convert_element_type3A_521 : vector<16xi32>
    %sub3A_523 = arith.subi %broadcast_in_dim3A_156, %convert_element_type3A_521 : vector<16xi32>
    %add3A_524 = arith.addi %add3A_519, %sub3A_523 : vector<16xi32>
    %ge3A_525 = arith.cmpf oge, %div3A_112, %div3A_122 : vector<16xf32>
    %convert_element_type3A_526 = arith.extui %ge3A_525 : vector<16xi1> to vector<16xi32>
    %add3A_527 = arith.addi %add3A_477, %convert_element_type3A_526 : vector<16xi32>
    %sub3A_528 = arith.subi %broadcast_in_dim3A_156, %convert_element_type3A_526 : vector<16xi32>
    %add3A_529 = arith.addi %add3A_524, %sub3A_528 : vector<16xi32>
    %ge3A_530 = arith.cmpf oge, %div3A_113, %div3A_114 : vector<16xf32>
    %convert_element_type3A_531 = arith.extui %ge3A_530 : vector<16xi1> to vector<16xi32>
    %add3A_532 = arith.addi %add3A_487, %convert_element_type3A_531 : vector<16xi32>
    %sub3A_533 = arith.subi %broadcast_in_dim3A_156, %convert_element_type3A_531 : vector<16xi32>
    %add3A_534 = arith.addi %add3A_482, %sub3A_533 : vector<16xi32>
    %ge3A_535 = arith.cmpf oge, %div3A_113, %div3A_115 : vector<16xf32>
    %convert_element_type3A_536 = arith.extui %ge3A_535 : vector<16xi1> to vector<16xi32>
    %add3A_537 = arith.addi %add3A_492, %convert_element_type3A_536 : vector<16xi32>
    %sub3A_538 = arith.subi %broadcast_in_dim3A_156, %convert_element_type3A_536 : vector<16xi32>
    %add3A_539 = arith.addi %add3A_534, %sub3A_538 : vector<16xi32>
    %ge3A_540 = arith.cmpf oge, %div3A_113, %div3A_116 : vector<16xf32>
    %convert_element_type3A_541 = arith.extui %ge3A_540 : vector<16xi1> to vector<16xi32>
    %add3A_542 = arith.addi %add3A_497, %convert_element_type3A_541 : vector<16xi32>
    %sub3A_543 = arith.subi %broadcast_in_dim3A_156, %convert_element_type3A_541 : vector<16xi32>
    %add3A_544 = arith.addi %add3A_539, %sub3A_543 : vector<16xi32>
    %ge3A_545 = arith.cmpf oge, %div3A_113, %div3A_117 : vector<16xf32>
    %convert_element_type3A_546 = arith.extui %ge3A_545 : vector<16xi1> to vector<16xi32>
    %add3A_547 = arith.addi %add3A_502, %convert_element_type3A_546 : vector<16xi32>
    %sub3A_548 = arith.subi %broadcast_in_dim3A_156, %convert_element_type3A_546 : vector<16xi32>
    %add3A_549 = arith.addi %add3A_544, %sub3A_548 : vector<16xi32>
    %ge3A_550 = arith.cmpf oge, %div3A_113, %div3A_118 : vector<16xf32>
    %convert_element_type3A_551 = arith.extui %ge3A_550 : vector<16xi1> to vector<16xi32>
    %add3A_552 = arith.addi %add3A_507, %convert_element_type3A_551 : vector<16xi32>
    %sub3A_553 = arith.subi %broadcast_in_dim3A_156, %convert_element_type3A_551 : vector<16xi32>
    %add3A_554 = arith.addi %add3A_549, %sub3A_553 : vector<16xi32>
    %ge3A_555 = arith.cmpf oge, %div3A_113, %div3A_119 : vector<16xf32>
    %convert_element_type3A_556 = arith.extui %ge3A_555 : vector<16xi1> to vector<16xi32>
    %add3A_557 = arith.addi %add3A_512, %convert_element_type3A_556 : vector<16xi32>
    %sub3A_558 = arith.subi %broadcast_in_dim3A_156, %convert_element_type3A_556 : vector<16xi32>
    %add3A_559 = arith.addi %add3A_554, %sub3A_558 : vector<16xi32>
    %ge3A_560 = arith.cmpf oge, %div3A_113, %div3A_120 : vector<16xf32>
    %convert_element_type3A_561 = arith.extui %ge3A_560 : vector<16xi1> to vector<16xi32>
    %add3A_562 = arith.addi %add3A_517, %convert_element_type3A_561 : vector<16xi32>
    %sub3A_563 = arith.subi %broadcast_in_dim3A_156, %convert_element_type3A_561 : vector<16xi32>
    %add3A_564 = arith.addi %add3A_559, %sub3A_563 : vector<16xi32>
    %ge3A_565 = arith.cmpf oge, %div3A_113, %div3A_121 : vector<16xf32>
    %convert_element_type3A_566 = arith.extui %ge3A_565 : vector<16xi1> to vector<16xi32>
    %add3A_567 = arith.addi %add3A_522, %convert_element_type3A_566 : vector<16xi32>
    %sub3A_568 = arith.subi %broadcast_in_dim3A_156, %convert_element_type3A_566 : vector<16xi32>
    %add3A_569 = arith.addi %add3A_564, %sub3A_568 : vector<16xi32>
    %ge3A_570 = arith.cmpf oge, %div3A_113, %div3A_122 : vector<16xf32>
    %convert_element_type3A_571 = arith.extui %ge3A_570 : vector<16xi1> to vector<16xi32>
    %add3A_572 = arith.addi %add3A_527, %convert_element_type3A_571 : vector<16xi32>
    %sub3A_573 = arith.subi %broadcast_in_dim3A_156, %convert_element_type3A_571 : vector<16xi32>
    %add3A_574 = arith.addi %add3A_569, %sub3A_573 : vector<16xi32>
    %ge3A_575 = arith.cmpf oge, %div3A_114, %div3A_115 : vector<16xf32>
    %convert_element_type3A_576 = arith.extui %ge3A_575 : vector<16xi1> to vector<16xi32>
    %add3A_577 = arith.addi %add3A_537, %convert_element_type3A_576 : vector<16xi32>
    %sub3A_578 = arith.subi %broadcast_in_dim3A_156, %convert_element_type3A_576 : vector<16xi32>
    %add3A_579 = arith.addi %add3A_532, %sub3A_578 : vector<16xi32>
    %ge3A_580 = arith.cmpf oge, %div3A_114, %div3A_116 : vector<16xf32>
    %convert_element_type3A_581 = arith.extui %ge3A_580 : vector<16xi1> to vector<16xi32>
    %add3A_582 = arith.addi %add3A_542, %convert_element_type3A_581 : vector<16xi32>
    %sub3A_583 = arith.subi %broadcast_in_dim3A_156, %convert_element_type3A_581 : vector<16xi32>
    %add3A_584 = arith.addi %add3A_579, %sub3A_583 : vector<16xi32>
    %ge3A_585 = arith.cmpf oge, %div3A_114, %div3A_117 : vector<16xf32>
    %convert_element_type3A_586 = arith.extui %ge3A_585 : vector<16xi1> to vector<16xi32>
    %add3A_587 = arith.addi %add3A_547, %convert_element_type3A_586 : vector<16xi32>
    %sub3A_588 = arith.subi %broadcast_in_dim3A_156, %convert_element_type3A_586 : vector<16xi32>
    %add3A_589 = arith.addi %add3A_584, %sub3A_588 : vector<16xi32>
    %ge3A_590 = arith.cmpf oge, %div3A_114, %div3A_118 : vector<16xf32>
    %convert_element_type3A_591 = arith.extui %ge3A_590 : vector<16xi1> to vector<16xi32>
    %add3A_592 = arith.addi %add3A_552, %convert_element_type3A_591 : vector<16xi32>
    %sub3A_593 = arith.subi %broadcast_in_dim3A_156, %convert_element_type3A_591 : vector<16xi32>
    %add3A_594 = arith.addi %add3A_589, %sub3A_593 : vector<16xi32>
    %ge3A_595 = arith.cmpf oge, %div3A_114, %div3A_119 : vector<16xf32>
    %convert_element_type3A_596 = arith.extui %ge3A_595 : vector<16xi1> to vector<16xi32>
    %add3A_597 = arith.addi %add3A_557, %convert_element_type3A_596 : vector<16xi32>
    %sub3A_598 = arith.subi %broadcast_in_dim3A_156, %convert_element_type3A_596 : vector<16xi32>
    %add3A_599 = arith.addi %add3A_594, %sub3A_598 : vector<16xi32>
    %ge3A_600 = arith.cmpf oge, %div3A_114, %div3A_120 : vector<16xf32>
    %convert_element_type3A_601 = arith.extui %ge3A_600 : vector<16xi1> to vector<16xi32>
    %add3A_602 = arith.addi %add3A_562, %convert_element_type3A_601 : vector<16xi32>
    %sub3A_603 = arith.subi %broadcast_in_dim3A_156, %convert_element_type3A_601 : vector<16xi32>
    %add3A_604 = arith.addi %add3A_599, %sub3A_603 : vector<16xi32>
    %ge3A_605 = arith.cmpf oge, %div3A_114, %div3A_121 : vector<16xf32>
    %convert_element_type3A_606 = arith.extui %ge3A_605 : vector<16xi1> to vector<16xi32>
    %add3A_607 = arith.addi %add3A_567, %convert_element_type3A_606 : vector<16xi32>
    %sub3A_608 = arith.subi %broadcast_in_dim3A_156, %convert_element_type3A_606 : vector<16xi32>
    %add3A_609 = arith.addi %add3A_604, %sub3A_608 : vector<16xi32>
    %ge3A_610 = arith.cmpf oge, %div3A_114, %div3A_122 : vector<16xf32>
    %convert_element_type3A_611 = arith.extui %ge3A_610 : vector<16xi1> to vector<16xi32>
    %add3A_612 = arith.addi %add3A_572, %convert_element_type3A_611 : vector<16xi32>
    %sub3A_613 = arith.subi %broadcast_in_dim3A_156, %convert_element_type3A_611 : vector<16xi32>
    %add3A_614 = arith.addi %add3A_609, %sub3A_613 : vector<16xi32>
    %ge3A_615 = arith.cmpf oge, %div3A_115, %div3A_116 : vector<16xf32>
    %convert_element_type3A_616 = arith.extui %ge3A_615 : vector<16xi1> to vector<16xi32>
    %add3A_617 = arith.addi %add3A_582, %convert_element_type3A_616 : vector<16xi32>
    %sub3A_618 = arith.subi %broadcast_in_dim3A_156, %convert_element_type3A_616 : vector<16xi32>
    %add3A_619 = arith.addi %add3A_577, %sub3A_618 : vector<16xi32>
    %ge3A_620 = arith.cmpf oge, %div3A_115, %div3A_117 : vector<16xf32>
    %convert_element_type3A_621 = arith.extui %ge3A_620 : vector<16xi1> to vector<16xi32>
    %add3A_622 = arith.addi %add3A_587, %convert_element_type3A_621 : vector<16xi32>
    %sub3A_623 = arith.subi %broadcast_in_dim3A_156, %convert_element_type3A_621 : vector<16xi32>
    %add3A_624 = arith.addi %add3A_619, %sub3A_623 : vector<16xi32>
    %ge3A_625 = arith.cmpf oge, %div3A_115, %div3A_118 : vector<16xf32>
    %convert_element_type3A_626 = arith.extui %ge3A_625 : vector<16xi1> to vector<16xi32>
    %add3A_627 = arith.addi %add3A_592, %convert_element_type3A_626 : vector<16xi32>
    %sub3A_628 = arith.subi %broadcast_in_dim3A_156, %convert_element_type3A_626 : vector<16xi32>
    %add3A_629 = arith.addi %add3A_624, %sub3A_628 : vector<16xi32>
    %ge3A_630 = arith.cmpf oge, %div3A_115, %div3A_119 : vector<16xf32>
    %convert_element_type3A_631 = arith.extui %ge3A_630 : vector<16xi1> to vector<16xi32>
    %add3A_632 = arith.addi %add3A_597, %convert_element_type3A_631 : vector<16xi32>
    %sub3A_633 = arith.subi %broadcast_in_dim3A_156, %convert_element_type3A_631 : vector<16xi32>
    %add3A_634 = arith.addi %add3A_629, %sub3A_633 : vector<16xi32>
    %ge3A_635 = arith.cmpf oge, %div3A_115, %div3A_120 : vector<16xf32>
    %convert_element_type3A_636 = arith.extui %ge3A_635 : vector<16xi1> to vector<16xi32>
    %add3A_637 = arith.addi %add3A_602, %convert_element_type3A_636 : vector<16xi32>
    %sub3A_638 = arith.subi %broadcast_in_dim3A_156, %convert_element_type3A_636 : vector<16xi32>
    %add3A_639 = arith.addi %add3A_634, %sub3A_638 : vector<16xi32>
    %ge3A_640 = arith.cmpf oge, %div3A_115, %div3A_121 : vector<16xf32>
    %convert_element_type3A_641 = arith.extui %ge3A_640 : vector<16xi1> to vector<16xi32>
    %add3A_642 = arith.addi %add3A_607, %convert_element_type3A_641 : vector<16xi32>
    %sub3A_643 = arith.subi %broadcast_in_dim3A_156, %convert_element_type3A_641 : vector<16xi32>
    %add3A_644 = arith.addi %add3A_639, %sub3A_643 : vector<16xi32>
    %ge3A_645 = arith.cmpf oge, %div3A_115, %div3A_122 : vector<16xf32>
    %convert_element_type3A_646 = arith.extui %ge3A_645 : vector<16xi1> to vector<16xi32>
    %add3A_647 = arith.addi %add3A_612, %convert_element_type3A_646 : vector<16xi32>
    %sub3A_648 = arith.subi %broadcast_in_dim3A_156, %convert_element_type3A_646 : vector<16xi32>
    %add3A_649 = arith.addi %add3A_644, %sub3A_648 : vector<16xi32>
    %ge3A_650 = arith.cmpf oge, %div3A_116, %div3A_117 : vector<16xf32>
    %convert_element_type3A_651 = arith.extui %ge3A_650 : vector<16xi1> to vector<16xi32>
    %add3A_652 = arith.addi %add3A_622, %convert_element_type3A_651 : vector<16xi32>
    %sub3A_653 = arith.subi %broadcast_in_dim3A_156, %convert_element_type3A_651 : vector<16xi32>
    %add3A_654 = arith.addi %add3A_617, %sub3A_653 : vector<16xi32>
    %ge3A_655 = arith.cmpf oge, %div3A_116, %div3A_118 : vector<16xf32>
    %convert_element_type3A_656 = arith.extui %ge3A_655 : vector<16xi1> to vector<16xi32>
    %add3A_657 = arith.addi %add3A_627, %convert_element_type3A_656 : vector<16xi32>
    %sub3A_658 = arith.subi %broadcast_in_dim3A_156, %convert_element_type3A_656 : vector<16xi32>
    %add3A_659 = arith.addi %add3A_654, %sub3A_658 : vector<16xi32>
    %ge3A_660 = arith.cmpf oge, %div3A_116, %div3A_119 : vector<16xf32>
    %convert_element_type3A_661 = arith.extui %ge3A_660 : vector<16xi1> to vector<16xi32>
    %add3A_662 = arith.addi %add3A_632, %convert_element_type3A_661 : vector<16xi32>
    %sub3A_663 = arith.subi %broadcast_in_dim3A_156, %convert_element_type3A_661 : vector<16xi32>
    %add3A_664 = arith.addi %add3A_659, %sub3A_663 : vector<16xi32>
    %ge3A_665 = arith.cmpf oge, %div3A_116, %div3A_120 : vector<16xf32>
    %convert_element_type3A_666 = arith.extui %ge3A_665 : vector<16xi1> to vector<16xi32>
    %add3A_667 = arith.addi %add3A_637, %convert_element_type3A_666 : vector<16xi32>
    %sub3A_668 = arith.subi %broadcast_in_dim3A_156, %convert_element_type3A_666 : vector<16xi32>
    %add3A_669 = arith.addi %add3A_664, %sub3A_668 : vector<16xi32>
    %ge3A_670 = arith.cmpf oge, %div3A_116, %div3A_121 : vector<16xf32>
    %convert_element_type3A_671 = arith.extui %ge3A_670 : vector<16xi1> to vector<16xi32>
    %add3A_672 = arith.addi %add3A_642, %convert_element_type3A_671 : vector<16xi32>
    %sub3A_673 = arith.subi %broadcast_in_dim3A_156, %convert_element_type3A_671 : vector<16xi32>
    %add3A_674 = arith.addi %add3A_669, %sub3A_673 : vector<16xi32>
    %ge3A_675 = arith.cmpf oge, %div3A_116, %div3A_122 : vector<16xf32>
    %convert_element_type3A_676 = arith.extui %ge3A_675 : vector<16xi1> to vector<16xi32>
    %add3A_677 = arith.addi %add3A_647, %convert_element_type3A_676 : vector<16xi32>
    %sub3A_678 = arith.subi %broadcast_in_dim3A_156, %convert_element_type3A_676 : vector<16xi32>
    %add3A_679 = arith.addi %add3A_674, %sub3A_678 : vector<16xi32>
    %ge3A_680 = arith.cmpf oge, %div3A_117, %div3A_118 : vector<16xf32>
    %convert_element_type3A_681 = arith.extui %ge3A_680 : vector<16xi1> to vector<16xi32>
    %add3A_682 = arith.addi %add3A_657, %convert_element_type3A_681 : vector<16xi32>
    %sub3A_683 = arith.subi %broadcast_in_dim3A_156, %convert_element_type3A_681 : vector<16xi32>
    %add3A_684 = arith.addi %add3A_652, %sub3A_683 : vector<16xi32>
    %ge3A_685 = arith.cmpf oge, %div3A_117, %div3A_119 : vector<16xf32>
    %convert_element_type3A_686 = arith.extui %ge3A_685 : vector<16xi1> to vector<16xi32>
    %add3A_687 = arith.addi %add3A_662, %convert_element_type3A_686 : vector<16xi32>
    %sub3A_688 = arith.subi %broadcast_in_dim3A_156, %convert_element_type3A_686 : vector<16xi32>
    %add3A_689 = arith.addi %add3A_684, %sub3A_688 : vector<16xi32>
    %ge3A_690 = arith.cmpf oge, %div3A_117, %div3A_120 : vector<16xf32>
    %convert_element_type3A_691 = arith.extui %ge3A_690 : vector<16xi1> to vector<16xi32>
    %add3A_692 = arith.addi %add3A_667, %convert_element_type3A_691 : vector<16xi32>
    %sub3A_693 = arith.subi %broadcast_in_dim3A_156, %convert_element_type3A_691 : vector<16xi32>
    %add3A_694 = arith.addi %add3A_689, %sub3A_693 : vector<16xi32>
    %ge3A_695 = arith.cmpf oge, %div3A_117, %div3A_121 : vector<16xf32>
    %convert_element_type3A_696 = arith.extui %ge3A_695 : vector<16xi1> to vector<16xi32>
    %add3A_697 = arith.addi %add3A_672, %convert_element_type3A_696 : vector<16xi32>
    %sub3A_698 = arith.subi %broadcast_in_dim3A_156, %convert_element_type3A_696 : vector<16xi32>
    %add3A_699 = arith.addi %add3A_694, %sub3A_698 : vector<16xi32>
    %ge3A_700 = arith.cmpf oge, %div3A_117, %div3A_122 : vector<16xf32>
    %convert_element_type3A_701 = arith.extui %ge3A_700 : vector<16xi1> to vector<16xi32>
    %add3A_702 = arith.addi %add3A_677, %convert_element_type3A_701 : vector<16xi32>
    %sub3A_703 = arith.subi %broadcast_in_dim3A_156, %convert_element_type3A_701 : vector<16xi32>
    %add3A_704 = arith.addi %add3A_699, %sub3A_703 : vector<16xi32>
    %ge3A_705 = arith.cmpf oge, %div3A_118, %div3A_119 : vector<16xf32>
    %convert_element_type3A_706 = arith.extui %ge3A_705 : vector<16xi1> to vector<16xi32>
    %add3A_707 = arith.addi %add3A_687, %convert_element_type3A_706 : vector<16xi32>
    %sub3A_708 = arith.subi %broadcast_in_dim3A_156, %convert_element_type3A_706 : vector<16xi32>
    %add3A_709 = arith.addi %add3A_682, %sub3A_708 : vector<16xi32>
    %ge3A_710 = arith.cmpf oge, %div3A_118, %div3A_120 : vector<16xf32>
    %convert_element_type3A_711 = arith.extui %ge3A_710 : vector<16xi1> to vector<16xi32>
    %add3A_712 = arith.addi %add3A_692, %convert_element_type3A_711 : vector<16xi32>
    %sub3A_713 = arith.subi %broadcast_in_dim3A_156, %convert_element_type3A_711 : vector<16xi32>
    %add3A_714 = arith.addi %add3A_709, %sub3A_713 : vector<16xi32>
    %ge3A_715 = arith.cmpf oge, %div3A_118, %div3A_121 : vector<16xf32>
    %convert_element_type3A_716 = arith.extui %ge3A_715 : vector<16xi1> to vector<16xi32>
    %add3A_717 = arith.addi %add3A_697, %convert_element_type3A_716 : vector<16xi32>
    %sub3A_718 = arith.subi %broadcast_in_dim3A_156, %convert_element_type3A_716 : vector<16xi32>
    %add3A_719 = arith.addi %add3A_714, %sub3A_718 : vector<16xi32>
    %ge3A_720 = arith.cmpf oge, %div3A_118, %div3A_122 : vector<16xf32>
    %convert_element_type3A_721 = arith.extui %ge3A_720 : vector<16xi1> to vector<16xi32>
    %add3A_722 = arith.addi %add3A_702, %convert_element_type3A_721 : vector<16xi32>
    %sub3A_723 = arith.subi %broadcast_in_dim3A_156, %convert_element_type3A_721 : vector<16xi32>
    %add3A_724 = arith.addi %add3A_719, %sub3A_723 : vector<16xi32>
    %ge3A_725 = arith.cmpf oge, %div3A_119, %div3A_120 : vector<16xf32>
    %convert_element_type3A_726 = arith.extui %ge3A_725 : vector<16xi1> to vector<16xi32>
    %add3A_727 = arith.addi %add3A_712, %convert_element_type3A_726 : vector<16xi32>
    %sub3A_728 = arith.subi %broadcast_in_dim3A_156, %convert_element_type3A_726 : vector<16xi32>
    %add3A_729 = arith.addi %add3A_707, %sub3A_728 : vector<16xi32>
    %ge3A_730 = arith.cmpf oge, %div3A_119, %div3A_121 : vector<16xf32>
    %convert_element_type3A_731 = arith.extui %ge3A_730 : vector<16xi1> to vector<16xi32>
    %add3A_732 = arith.addi %add3A_717, %convert_element_type3A_731 : vector<16xi32>
    %sub3A_733 = arith.subi %broadcast_in_dim3A_156, %convert_element_type3A_731 : vector<16xi32>
    %add3A_734 = arith.addi %add3A_729, %sub3A_733 : vector<16xi32>
    %ge3A_735 = arith.cmpf oge, %div3A_119, %div3A_122 : vector<16xf32>
    %convert_element_type3A_736 = arith.extui %ge3A_735 : vector<16xi1> to vector<16xi32>
    %add3A_737 = arith.addi %add3A_722, %convert_element_type3A_736 : vector<16xi32>
    %sub3A_738 = arith.subi %broadcast_in_dim3A_156, %convert_element_type3A_736 : vector<16xi32>
    %add3A_739 = arith.addi %add3A_734, %sub3A_738 : vector<16xi32>
    %ge3A_740 = arith.cmpf oge, %div3A_120, %div3A_121 : vector<16xf32>
    %convert_element_type3A_741 = arith.extui %ge3A_740 : vector<16xi1> to vector<16xi32>
    %add3A_742 = arith.addi %add3A_732, %convert_element_type3A_741 : vector<16xi32>
    %sub3A_743 = arith.subi %broadcast_in_dim3A_156, %convert_element_type3A_741 : vector<16xi32>
    %add3A_744 = arith.addi %add3A_727, %sub3A_743 : vector<16xi32>
    %ge3A_745 = arith.cmpf oge, %div3A_120, %div3A_122 : vector<16xf32>
    %convert_element_type3A_746 = arith.extui %ge3A_745 : vector<16xi1> to vector<16xi32>
    %add3A_747 = arith.addi %add3A_737, %convert_element_type3A_746 : vector<16xi32>
    %sub3A_748 = arith.subi %broadcast_in_dim3A_156, %convert_element_type3A_746 : vector<16xi32>
    %add3A_749 = arith.addi %add3A_744, %sub3A_748 : vector<16xi32>
    %ge3A_750 = arith.cmpf oge, %div3A_121, %div3A_122 : vector<16xf32>
    %convert_element_type3A_751 = arith.extui %ge3A_750 : vector<16xi1> to vector<16xi32>
    %add3A_752 = arith.addi %add3A_747, %convert_element_type3A_751 : vector<16xi32>
    %sub3A_753 = arith.subi %broadcast_in_dim3A_156, %convert_element_type3A_751 : vector<16xi32>
    %add3A_754 = arith.addi %add3A_742, %sub3A_753 : vector<16xi32>
    %lt3A = arith.constant 8 : i32
    %lt3A_755 = vector.broadcast %lt3A : i32 to vector<16xi32>
    %lt3A_756 = arith.cmpi slt, %add3A_229, %lt3A_755 : vector<16xi32>
    %jit3A = arith.constant 0.000000e+00 : f32
    %broadcast_in_dim3A_757 = vector.broadcast %jit3A : f32 to vector<16xf32>
    %select_n3A = arith.select %lt3A_756, %div3A, %broadcast_in_dim3A_757 : vector<16xi1>, vector<16xf32>
    %lt3A_758 = arith.constant 8 : i32
    %lt3A_759 = vector.broadcast %lt3A_758 : i32 to vector<16xi32>
    %lt3A_760 = arith.cmpi slt, %add3A_299, %lt3A_759 : vector<16xi32>
    %jit3A_761 = arith.constant 0.000000e+00 : f32
    %broadcast_in_dim3A_762 = vector.broadcast %jit3A_761 : f32 to vector<16xf32>
    %select_n3A_763 = arith.select %lt3A_760, %div3A_108, %broadcast_in_dim3A_762 : vector<16xi1>, vector<16xf32>
    %lt3A_764 = arith.constant 8 : i32
    %lt3A_765 = vector.broadcast %lt3A_764 : i32 to vector<16xi32>
    %lt3A_766 = arith.cmpi slt, %add3A_364, %lt3A_765 : vector<16xi32>
    %jit3A_767 = arith.constant 0.000000e+00 : f32
    %broadcast_in_dim3A_768 = vector.broadcast %jit3A_767 : f32 to vector<16xf32>
    %select_n3A_769 = arith.select %lt3A_766, %div3A_109, %broadcast_in_dim3A_768 : vector<16xi1>, vector<16xf32>
    %lt3A_770 = arith.constant 8 : i32
    %lt3A_771 = vector.broadcast %lt3A_770 : i32 to vector<16xi32>
    %lt3A_772 = arith.cmpi slt, %add3A_424, %lt3A_771 : vector<16xi32>
    %jit3A_773 = arith.constant 0.000000e+00 : f32
    %broadcast_in_dim3A_774 = vector.broadcast %jit3A_773 : f32 to vector<16xf32>
    %select_n3A_775 = arith.select %lt3A_772, %div3A_110, %broadcast_in_dim3A_774 : vector<16xi1>, vector<16xf32>
    %lt3A_776 = arith.constant 8 : i32
    %lt3A_777 = vector.broadcast %lt3A_776 : i32 to vector<16xi32>
    %lt3A_778 = arith.cmpi slt, %add3A_479, %lt3A_777 : vector<16xi32>
    %jit3A_779 = arith.constant 0.000000e+00 : f32
    %broadcast_in_dim3A_780 = vector.broadcast %jit3A_779 : f32 to vector<16xf32>
    %select_n3A_781 = arith.select %lt3A_778, %div3A_111, %broadcast_in_dim3A_780 : vector<16xi1>, vector<16xf32>
    %lt3A_782 = arith.constant 8 : i32
    %lt3A_783 = vector.broadcast %lt3A_782 : i32 to vector<16xi32>
    %lt3A_784 = arith.cmpi slt, %add3A_529, %lt3A_783 : vector<16xi32>
    %jit3A_785 = arith.constant 0.000000e+00 : f32
    %broadcast_in_dim3A_786 = vector.broadcast %jit3A_785 : f32 to vector<16xf32>
    %select_n3A_787 = arith.select %lt3A_784, %div3A_112, %broadcast_in_dim3A_786 : vector<16xi1>, vector<16xf32>
    %lt3A_788 = arith.constant 8 : i32
    %lt3A_789 = vector.broadcast %lt3A_788 : i32 to vector<16xi32>
    %lt3A_790 = arith.cmpi slt, %add3A_574, %lt3A_789 : vector<16xi32>
    %jit3A_791 = arith.constant 0.000000e+00 : f32
    %broadcast_in_dim3A_792 = vector.broadcast %jit3A_791 : f32 to vector<16xf32>
    %select_n3A_793 = arith.select %lt3A_790, %div3A_113, %broadcast_in_dim3A_792 : vector<16xi1>, vector<16xf32>
    %lt3A_794 = arith.constant 8 : i32
    %lt3A_795 = vector.broadcast %lt3A_794 : i32 to vector<16xi32>
    %lt3A_796 = arith.cmpi slt, %add3A_614, %lt3A_795 : vector<16xi32>
    %jit3A_797 = arith.constant 0.000000e+00 : f32
    %broadcast_in_dim3A_798 = vector.broadcast %jit3A_797 : f32 to vector<16xf32>
    %select_n3A_799 = arith.select %lt3A_796, %div3A_114, %broadcast_in_dim3A_798 : vector<16xi1>, vector<16xf32>
    %lt3A_800 = arith.constant 8 : i32
    %lt3A_801 = vector.broadcast %lt3A_800 : i32 to vector<16xi32>
    %lt3A_802 = arith.cmpi slt, %add3A_649, %lt3A_801 : vector<16xi32>
    %jit3A_803 = arith.constant 0.000000e+00 : f32
    %broadcast_in_dim3A_804 = vector.broadcast %jit3A_803 : f32 to vector<16xf32>
    %select_n3A_805 = arith.select %lt3A_802, %div3A_115, %broadcast_in_dim3A_804 : vector<16xi1>, vector<16xf32>
    %lt3A_806 = arith.constant 8 : i32
    %lt3A_807 = vector.broadcast %lt3A_806 : i32 to vector<16xi32>
    %lt3A_808 = arith.cmpi slt, %add3A_679, %lt3A_807 : vector<16xi32>
    %jit3A_809 = arith.constant 0.000000e+00 : f32
    %broadcast_in_dim3A_810 = vector.broadcast %jit3A_809 : f32 to vector<16xf32>
    %select_n3A_811 = arith.select %lt3A_808, %div3A_116, %broadcast_in_dim3A_810 : vector<16xi1>, vector<16xf32>
    %lt3A_812 = arith.constant 8 : i32
    %lt3A_813 = vector.broadcast %lt3A_812 : i32 to vector<16xi32>
    %lt3A_814 = arith.cmpi slt, %add3A_704, %lt3A_813 : vector<16xi32>
    %jit3A_815 = arith.constant 0.000000e+00 : f32
    %broadcast_in_dim3A_816 = vector.broadcast %jit3A_815 : f32 to vector<16xf32>
    %select_n3A_817 = arith.select %lt3A_814, %div3A_117, %broadcast_in_dim3A_816 : vector<16xi1>, vector<16xf32>
    %lt3A_818 = arith.constant 8 : i32
    %lt3A_819 = vector.broadcast %lt3A_818 : i32 to vector<16xi32>
    %lt3A_820 = arith.cmpi slt, %add3A_724, %lt3A_819 : vector<16xi32>
    %jit3A_821 = arith.constant 0.000000e+00 : f32
    %broadcast_in_dim3A_822 = vector.broadcast %jit3A_821 : f32 to vector<16xf32>
    %select_n3A_823 = arith.select %lt3A_820, %div3A_118, %broadcast_in_dim3A_822 : vector<16xi1>, vector<16xf32>
    %lt3A_824 = arith.constant 8 : i32
    %lt3A_825 = vector.broadcast %lt3A_824 : i32 to vector<16xi32>
    %lt3A_826 = arith.cmpi slt, %add3A_739, %lt3A_825 : vector<16xi32>
    %jit3A_827 = arith.constant 0.000000e+00 : f32
    %broadcast_in_dim3A_828 = vector.broadcast %jit3A_827 : f32 to vector<16xf32>
    %select_n3A_829 = arith.select %lt3A_826, %div3A_119, %broadcast_in_dim3A_828 : vector<16xi1>, vector<16xf32>
    %lt3A_830 = arith.constant 8 : i32
    %lt3A_831 = vector.broadcast %lt3A_830 : i32 to vector<16xi32>
    %lt3A_832 = arith.cmpi slt, %add3A_749, %lt3A_831 : vector<16xi32>
    %jit3A_833 = arith.constant 0.000000e+00 : f32
    %broadcast_in_dim3A_834 = vector.broadcast %jit3A_833 : f32 to vector<16xf32>
    %select_n3A_835 = arith.select %lt3A_832, %div3A_120, %broadcast_in_dim3A_834 : vector<16xi1>, vector<16xf32>
    %lt3A_836 = arith.constant 8 : i32
    %lt3A_837 = vector.broadcast %lt3A_836 : i32 to vector<16xi32>
    %lt3A_838 = arith.cmpi slt, %add3A_754, %lt3A_837 : vector<16xi32>
    %jit3A_839 = arith.constant 0.000000e+00 : f32
    %broadcast_in_dim3A_840 = vector.broadcast %jit3A_839 : f32 to vector<16xf32>
    %select_n3A_841 = arith.select %lt3A_838, %div3A_121, %broadcast_in_dim3A_840 : vector<16xi1>, vector<16xf32>
    %lt3A_842 = arith.constant 8 : i32
    %lt3A_843 = vector.broadcast %lt3A_842 : i32 to vector<16xi32>
    %lt3A_844 = arith.cmpi slt, %add3A_752, %lt3A_843 : vector<16xi32>
    %jit3A_845 = arith.constant 0.000000e+00 : f32
    %broadcast_in_dim3A_846 = vector.broadcast %jit3A_845 : f32 to vector<16xf32>
    %select_n3A_847 = arith.select %lt3A_844, %div3A_122, %broadcast_in_dim3A_846 : vector<16xi1>, vector<16xf32>
    %add3A_848 = arith.addf %select_n3A, %select_n3A_763 : vector<16xf32>
    %add3A_849 = arith.addf %add3A_848, %select_n3A_769 : vector<16xf32>
    %add3A_850 = arith.addf %add3A_849, %select_n3A_775 : vector<16xf32>
    %add3A_851 = arith.addf %add3A_850, %select_n3A_781 : vector<16xf32>
    %add3A_852 = arith.addf %add3A_851, %select_n3A_787 : vector<16xf32>
    %add3A_853 = arith.addf %add3A_852, %select_n3A_793 : vector<16xf32>
    %add3A_854 = arith.addf %add3A_853, %select_n3A_799 : vector<16xf32>
    %add3A_855 = arith.addf %add3A_854, %select_n3A_805 : vector<16xf32>
    %add3A_856 = arith.addf %add3A_855, %select_n3A_811 : vector<16xf32>
    %add3A_857 = arith.addf %add3A_856, %select_n3A_817 : vector<16xf32>
    %add3A_858 = arith.addf %add3A_857, %select_n3A_823 : vector<16xf32>
    %add3A_859 = arith.addf %add3A_858, %select_n3A_829 : vector<16xf32>
    %add3A_860 = arith.addf %add3A_859, %select_n3A_835 : vector<16xf32>
    %add3A_861 = arith.addf %add3A_860, %select_n3A_841 : vector<16xf32>
    %add3A_862 = arith.addf %add3A_861, %select_n3A_847 : vector<16xf32>
    %div3A_863 = arith.divf %select_n3A, %add3A_862 : vector<16xf32>
    %swap3A = arith.constant 0 : i32
    %swap3A_864 = arith.index_cast %swap3A : i32 to index
    %swap3A_865 = arith.constant 0 : index
    %swap3A_866 = tpu.vector_load %arg5[%swap3A_864, %swap3A_865] {strides = array<i32>} : memref<16x16xf32, #tpu.memory_space<vmem>>, vector<16xf32>,
    tpu.vector_store %arg5[%swap3A_864, %swap3A_865], %div3A_863 {strides = array<i32>} : memref<16x16xf32, #tpu.memory_space<vmem>>, vector<16xf32>,
    %div3A_867 = arith.divf %select_n3A_763, %add3A_862 : vector<16xf32>
    %swap3A_868 = arith.constant 1 : i32
    %swap3A_869 = arith.index_cast %swap3A_868 : i32 to index
    %swap3A_870 = arith.constant 0 : index
    %swap3A_871 = tpu.vector_load %arg5[%swap3A_869, %swap3A_870] {strides = array<i32>} : memref<16x16xf32, #tpu.memory_space<vmem>>, vector<16xf32>,
    tpu.vector_store %arg5[%swap3A_869, %swap3A_870], %div3A_867 {strides = array<i32>} : memref<16x16xf32, #tpu.memory_space<vmem>>, vector<16xf32>,
    %div3A_872 = arith.divf %select_n3A_769, %add3A_862 : vector<16xf32>
    %swap3A_873 = arith.constant 2 : i32
    %swap3A_874 = arith.index_cast %swap3A_873 : i32 to index
    %swap3A_875 = arith.constant 0 : index
    %swap3A_876 = tpu.vector_load %arg5[%swap3A_874, %swap3A_875] {strides = array<i32>} : memref<16x16xf32, #tpu.memory_space<vmem>>, vector<16xf32>,
    tpu.vector_store %arg5[%swap3A_874, %swap3A_875], %div3A_872 {strides = array<i32>} : memref<16x16xf32, #tpu.memory_space<vmem>>, vector<16xf32>,
    %div3A_877 = arith.divf %select_n3A_775, %add3A_862 : vector<16xf32>
    %swap3A_878 = arith.constant 3 : i32
    %swap3A_879 = arith.index_cast %swap3A_878 : i32 to index
    %swap3A_880 = arith.constant 0 : index
    %swap3A_881 = tpu.vector_load %arg5[%swap3A_879, %swap3A_880] {strides = array<i32>} : memref<16x16xf32, #tpu.memory_space<vmem>>, vector<16xf32>,
    tpu.vector_store %arg5[%swap3A_879, %swap3A_880], %div3A_877 {strides = array<i32>} : memref<16x16xf32, #tpu.memory_space<vmem>>, vector<16xf32>,
    %div3A_882 = arith.divf %select_n3A_781, %add3A_862 : vector<16xf32>
    %swap3A_883 = arith.constant 4 : i32
    %swap3A_884 = arith.index_cast %swap3A_883 : i32 to index
    %swap3A_885 = arith.constant 0 : index
    %swap3A_886 = tpu.vector_load %arg5[%swap3A_884, %swap3A_885] {strides = array<i32>} : memref<16x16xf32, #tpu.memory_space<vmem>>, vector<16xf32>,
    tpu.vector_store %arg5[%swap3A_884, %swap3A_885], %div3A_882 {strides = array<i32>} : memref<16x16xf32, #tpu.memory_space<vmem>>, vector<16xf32>,
    %div3A_887 = arith.divf %select_n3A_787, %add3A_862 : vector<16xf32>
    %swap3A_888 = arith.constant 5 : i32
    %swap3A_889 = arith.index_cast %swap3A_888 : i32 to index
    %swap3A_890 = arith.constant 0 : index
    %swap3A_891 = tpu.vector_load %arg5[%swap3A_889, %swap3A_890] {strides = array<i32>} : memref<16x16xf32, #tpu.memory_space<vmem>>, vector<16xf32>,
    tpu.vector_store %arg5[%swap3A_889, %swap3A_890], %div3A_887 {strides = array<i32>} : memref<16x16xf32, #tpu.memory_space<vmem>>, vector<16xf32>,
    %div3A_892 = arith.divf %select_n3A_793, %add3A_862 : vector<16xf32>
    %swap3A_893 = arith.constant 6 : i32
    %swap3A_894 = arith.index_cast %swap3A_893 : i32 to index
    %swap3A_895 = arith.constant 0 : index
    %swap3A_896 = tpu.vector_load %arg5[%swap3A_894, %swap3A_895] {strides = array<i32>} : memref<16x16xf32, #tpu.memory_space<vmem>>, vector<16xf32>,
    tpu.vector_store %arg5[%swap3A_894, %swap3A_895], %div3A_892 {strides = array<i32>} : memref<16x16xf32, #tpu.memory_space<vmem>>, vector<16xf32>,
    %div3A_897 = arith.divf %select_n3A_799, %add3A_862 : vector<16xf32>
    %swap3A_898 = arith.constant 7 : i32
    %swap3A_899 = arith.index_cast %swap3A_898 : i32 to index
    %swap3A_900 = arith.constant 0 : index
    %swap3A_901 = tpu.vector_load %arg5[%swap3A_899, %swap3A_900] {strides = array<i32>} : memref<16x16xf32, #tpu.memory_space<vmem>>, vector<16xf32>,
    tpu.vector_store %arg5[%swap3A_899, %swap3A_900], %div3A_897 {strides = array<i32>} : memref<16x16xf32, #tpu.memory_space<vmem>>, vector<16xf32>,
    %div3A_902 = arith.divf %select_n3A_805, %add3A_862 : vector<16xf32>
    %swap3A_903 = arith.constant 8 : i32
    %swap3A_904 = arith.index_cast %swap3A_903 : i32 to index
    %swap3A_905 = arith.constant 0 : index
    %swap3A_906 = tpu.vector_load %arg5[%swap3A_904, %swap3A_905] {strides = array<i32>} : memref<16x16xf32, #tpu.memory_space<vmem>>, vector<16xf32>,
    tpu.vector_store %arg5[%swap3A_904, %swap3A_905], %div3A_902 {strides = array<i32>} : memref<16x16xf32, #tpu.memory_space<vmem>>, vector<16xf32>,
    %div3A_907 = arith.divf %select_n3A_811, %add3A_862 : vector<16xf32>
    %swap3A_908 = arith.constant 9 : i32
    %swap3A_909 = arith.index_cast %swap3A_908 : i32 to index
    %swap3A_910 = arith.constant 0 : index
    %swap3A_911 = tpu.vector_load %arg5[%swap3A_909, %swap3A_910] {strides = array<i32>} : memref<16x16xf32, #tpu.memory_space<vmem>>, vector<16xf32>,
    tpu.vector_store %arg5[%swap3A_909, %swap3A_910], %div3A_907 {strides = array<i32>} : memref<16x16xf32, #tpu.memory_space<vmem>>, vector<16xf32>,
    %div3A_912 = arith.divf %select_n3A_817, %add3A_862 : vector<16xf32>
    %swap3A_913 = arith.constant 10 : i32
    %swap3A_914 = arith.index_cast %swap3A_913 : i32 to index
    %swap3A_915 = arith.constant 0 : index
    %swap3A_916 = tpu.vector_load %arg5[%swap3A_914, %swap3A_915] {strides = array<i32>} : memref<16x16xf32, #tpu.memory_space<vmem>>, vector<16xf32>,
    tpu.vector_store %arg5[%swap3A_914, %swap3A_915], %div3A_912 {strides = array<i32>} : memref<16x16xf32, #tpu.memory_space<vmem>>, vector<16xf32>,
    %div3A_917 = arith.divf %select_n3A_823, %add3A_862 : vector<16xf32>
    %swap3A_918 = arith.constant 11 : i32
    %swap3A_919 = arith.index_cast %swap3A_918 : i32 to index
    %swap3A_920 = arith.constant 0 : index
    %swap3A_921 = tpu.vector_load %arg5[%swap3A_919, %swap3A_920] {strides = array<i32>} : memref<16x16xf32, #tpu.memory_space<vmem>>, vector<16xf32>,
    tpu.vector_store %arg5[%swap3A_919, %swap3A_920], %div3A_917 {strides = array<i32>} : memref<16x16xf32, #tpu.memory_space<vmem>>, vector<16xf32>,
    %div3A_922 = arith.divf %select_n3A_829, %add3A_862 : vector<16xf32>
    %swap3A_923 = arith.constant 12 : i32
    %swap3A_924 = arith.index_cast %swap3A_923 : i32 to index
    %swap3A_925 = arith.constant 0 : index
    %swap3A_926 = tpu.vector_load %arg5[%swap3A_924, %swap3A_925] {strides = array<i32>} : memref<16x16xf32, #tpu.memory_space<vmem>>, vector<16xf32>,
    tpu.vector_store %arg5[%swap3A_924, %swap3A_925], %div3A_922 {strides = array<i32>} : memref<16x16xf32, #tpu.memory_space<vmem>>, vector<16xf32>,
    %div3A_927 = arith.divf %select_n3A_835, %add3A_862 : vector<16xf32>
    %swap3A_928 = arith.constant 13 : i32
    %swap3A_929 = arith.index_cast %swap3A_928 : i32 to index
    %swap3A_930 = arith.constant 0 : index
    %swap3A_931 = tpu.vector_load %arg5[%swap3A_929, %swap3A_930] {strides = array<i32>} : memref<16x16xf32, #tpu.memory_space<vmem>>, vector<16xf32>,
    tpu.vector_store %arg5[%swap3A_929, %swap3A_930], %div3A_927 {strides = array<i32>} : memref<16x16xf32, #tpu.memory_space<vmem>>, vector<16xf32>,
    %div3A_932 = arith.divf %select_n3A_841, %add3A_862 : vector<16xf32>
    %swap3A_933 = arith.constant 14 : i32
    %swap3A_934 = arith.index_cast %swap3A_933 : i32 to index
    %swap3A_935 = arith.constant 0 : index
    %swap3A_936 = tpu.vector_load %arg5[%swap3A_934, %swap3A_935] {strides = array<i32>} : memref<16x16xf32, #tpu.memory_space<vmem>>, vector<16xf32>,
    tpu.vector_store %arg5[%swap3A_934, %swap3A_935], %div3A_932 {strides = array<i32>} : memref<16x16xf32, #tpu.memory_space<vmem>>, vector<16xf32>,
    %div3A_937 = arith.divf %select_n3A_847, %add3A_862 : vector<16xf32>
    %swap3A_938 = arith.constant 15 : i32
    %swap3A_939 = arith.index_cast %swap3A_938 : i32 to index
    %swap3A_940 = arith.constant 0 : index
    %swap3A_941 = tpu.vector_load %arg5[%swap3A_939, %swap3A_940] {strides = array<i32>} : memref<16x16xf32, #tpu.memory_space<vmem>>, vector<16xf32>,
    tpu.vector_store %arg5[%swap3A_939, %swap3A_940], %div3A_937 {strides = array<i32>} : memref<16x16xf32, #tpu.memory_space<vmem>>, vector<16xf32>,
    "tpu.region"() ({
      %run_scoped3A = tpu.sem_alloc : memref<!tpu.dma_semaphore, #tpu.memory_space<semaphore_mem>>
      %dma_start3A = arith.constant 0 : i32
      %dma_start3A_942 = tpu.memref_slice %arg3[%dma_start3A, %mul3A_2] : memref<16x512xf32, #tpu.memory_space<hbm>> -> memref<16x16xf32, #tpu.memory_space<hbm>>
      %dma_start3A_943 = arith.constant 0 : i32
      %dma_start3A_944 = tpu.memref_slice %arg3[%dma_start3A_943, %mul3A_2] : memref<16x512xf32, #tpu.memory_space<hbm>> -> memref<16x16xf32, #tpu.memory_space<hbm>>
      tpu.enqueue_dma source(%arg5 : memref<16x16xf32, #tpu.memory_space<vmem>>) target(%dma_start3A_944 : memref<16x16xf32, #tpu.memory_space<hbm>>) target_semaphore(%run_scoped3A : memref<!tpu.dma_semaphore, #tpu.memory_space<semaphore_mem>>)
      %dma_wait3A = arith.constant 0 : i32
      %dma_wait3A_945 = tpu.memref_slice %arg3[%dma_wait3A, %mul3A_2] : memref<16x512xf32, #tpu.memory_space<hbm>> -> memref<16x16xf32, #tpu.memory_space<hbm>>
      %dma_wait3A_946 = arith.constant 0 : i32
      %dma_wait3A_947 = tpu.memref_slice %arg3[%dma_wait3A_946, %mul3A_2] : memref<16x512xf32, #tpu.memory_space<hbm>> -> memref<16x16xf32, #tpu.memory_space<hbm>>
      tpu.wait_dma2 semaphore(%run_scoped3A : memref<!tpu.dma_semaphore, #tpu.memory_space<semaphore_mem>>) src(%arg5 : memref<16x16xf32, #tpu.memory_space<vmem>>) dst(%dma_wait3A_947 : memref<16x16xf32, #tpu.memory_space<hbm>>)
      tpu.yield
    }) : () -> ()
    return
  }
}

</mosaic_0001>

<sc_bundles>
// kernel: _route_sc.3.cloned.1.call-start
scs
__scs_entry_jumppad:
0x0: {  	(pc) =	sbr.rel $0x88, $3  }
0x1: {  	(tag) =	ssettag $0x0;
	lr =	simm.s32 $0x1  }
0x2: {  	[smem:$0x3FA0] =	sst lr;
	_ =	strace $0xD0000000  }
0x3: {  	_ = 	snop  }
0x4: {  	_ = 	snop  }
0x5: {  	_ = 	snop  }
0x6: {  	_ = 	snop  }
0x7: {  	_ = 	snop  }
__scs_overlays_trampoline_lowered:
0x8: {  	[smem:$0x3FAF] =	sst s0  }
0x9: {  	[smem:$0x3FB0] =	sst s1  }
0xa: {  	[smem:$0x3FB1] =	sst s2  }
0xb: {  	[smem:$0x3FB2] =	sst s3  }
0xc: {  	[smem:$0x3FB3] =	sst s4  }
0xd: {  	[smem:$0x3FB4] =	sst s5  }
0xe: {  	[smem:$0x3FB5] =	sst s6  }
0xf: {  	[smem:$0x3FB6] =	sst s7  }
0x10: {  	[smem:$0x3FB7] =	sst s8  }
0x11: {  	[smem:$0x3FB8] =	sst s9;
	s0 =	simm.s32 @!p0 $0x0  }
0x12: {  	s1 =	sld [smem:$0x3F9E];
	s0 =	simm.s32 @p0 $0x1  }
0x13: {  	[smem:$0x3FB9] =	sst s0;
	s0 =	simm.s32 @!p1 $0x0  }
0x14: {  	s2 =	sld [smem:$0x3F9D];
	s0 =	simm.s32 @p1 $0x1  }
0x15: {  	[smem:$0x3FBA] =	sst s0;
	s0 =	simm.s32 @!p2 $0x0  }
0x16: {  	s3 =	sld [smem:$0x3FDB];
	s0 =	simm.s32 @p2 $0x1  }
0x17: {  	s4 =	simm.s32 $0x1BF5;
	[smem:$0x3FBC] =	sst s0  }
0x18: {  	s0 =	sld [smem:$0x3F9F];
	_ =	swait.ge [sflag:s4], $0x0  }
0x19: {  	s7 =	sld [smem:$0x3FA0]  }
0x1a: {  	s8 =	sadd.s32 $0xFFFFE003, lr  }
0x1b: {  	s9 =	sadd.s32 $0xFFFFFEF7, lr;
	s5 =	simm.s32 $0xFFFFFFFF;
	p2 =	slt.u32 s8, $0xFFFFF086  }
0x1c: {  	p1 =	slt.u32 s9, $0xF7A;
	s5 =	simm.s32 @!p2 $0x0  }
0x1d: {  	s5 =	simm.s32 @p1 $0x1;
	p0 =	seq.s32 s7, s2  }
0x1e: {  	s7 =	smul.u32 @!p0 $0xF7A, s2;
	p2 =	seq.s32 @!p0 s5, $0x0  }
0x1f: {  	s9 =	smul.u32 $0xF7A, s1;
	s8 =	simm.s32 @!p0 $0x1BF5;
	p2 =	por !p2, p0  }
0x20: {  	[sflag:s8] =	ssyncset.s32 @!p0 $0xFFFFF086;
	s6 =	sadd.s32 @!p0 s3, s7;
	s7 =	simm.s32 @!p0 $0x108  }
0x21: {  	s3 =	sadd.s32 s3, s9;
	s6 =	sadd.s32 @!p0 $0x88, s6;
	s7 =	simm.s32 @p2 $0x1082  }
0x22: {  	[simem:s7], [sflag:s8] =	dma.local @!p0 [hbm:s6], $0xF7A  }
0x23: {  	s9 =	sor.u32 $0xD0000000, s2;
	s6 =	simm.s32 $0x108;
	_ =	swait.ge @!p0 [sflag:s8], $0x0  }
0x24: {  	s3 =	sadd.s32 $0x88, s3;
	s6 =	simm.s32 @!p1 $0x1082;
	[sflag:s4] =	ssyncset.s32 $0xFFFFF086  }
0x25: {  	[simem:s6], [sflag:s4] =	dma.local [hbm:s3], $0xF7A  }
0x26: {  	[smem:$0x3FA0] =	sst s1;
	(tag) =	ssettag s2;
	_ =	strace s9  }
0x27: {  	s1 =	sld [smem:$0x3FB0]  }
0x28: {  	s2 =	sld [smem:$0x3FB1]  }
0x29: {  	s4 =	sld [smem:$0x3FB3]  }
0x2a: {  	p0 =	seq.s32 s5, $0x0;
	s5 =	sld [smem:$0x3FB4]  }
0x2b: {  	s6 =	sld [smem:$0x3FB5]  }
0x2c: {  	s7 =	sld [smem:$0x3FB6]  }
0x2d: {  	s3 =	simm.s32 $0x108;
	s8 =	sld [smem:$0x3FB7]  }
0x2e: {  	s3 =	simm.s32 @!p0 $0x1082;
	s9 =	sld [smem:$0x3FB8]  }
0x2f: {  	lr =	sadd.s32 s0, s3;
	s0 =	sld [smem:$0x3FAF]  }
0x30: {  	s3 =	sld [smem:$0x3FB2]  }
0x31: {  	[smem:$0x3FBB] =	sst s10  }
0x32: {  	s10 =	sld [smem:$0x3FB9];
	_ =	sdelay $0x3  }
0x33: {  	p0 =	seq.s32 s10, $0x1;
	s10 =	sld [smem:$0x3FBB];
	_ =	sdelay $0x3  }
0x34: {  	[smem:$0x3FBB] =	sst s10  }
0x35: {  	s10 =	sld [smem:$0x3FBA];
	_ =	sdelay $0x3  }
0x36: {  	p1 =	seq.s32 s10, $0x1;
	s10 =	sld [smem:$0x3FBB];
	_ =	sdelay $0x3  }
0x37: {  	[smem:$0x3FBB] =	sst s10  }
0x38: {  	s10 =	sld [smem:$0x3FBC]  }
0x39: {  	_ = 	snop;
	(pc) =	sbr.ind lr, $3  }
0x3a: {  	_ = 	snop  }
0x3b: {  	_ = 	snop  }
0x3c: {  	p2 =	seq.s32 s10, $0x1;
	s10 =	sld [smem:$0x3FBB]  }
0x3d: {  	_ =	shalt  }
0x3e: {  	_ =	shalt  }
0x3f: {  	_ =	shalt  }
0x40: {  	_ =	shalt  }
0x41: {  	_ =	shalt  }
0x42: {  	_ =	shalt  }
0x43: {  	_ =	shalt  }
0x44: {  	_ =	shalt  }
0x45: {  	_ =	shalt  }
0x46: {  	_ =	shalt  }
0x47: {  	_ =	shalt  }
0x48: {  	_ =	shalt  }
0x49: {  	_ =	shalt  }
0x4a: {  	_ =	shalt  }
0x4b: {  	_ =	shalt  }
0x4c: {  	_ =	shalt  }
0x4d: {  	_ =	shalt  }
0x4e: {  	_ =	shalt  }
0x4f: {  	_ =	shalt  }
0x50: {  	_ =	shalt  }
0x51: {  	_ =	shalt  }
0x52: {  	_ =	shalt  }
0x53: {  	_ =	shalt  }
0x54: {  	_ =	shalt  }
0x55: {  	_ =	shalt  }
0x56: {  	_ =	shalt  }
0x57: {  	_ =	shalt  }
0x58: {  	_ =	shalt  }
0x59: {  	_ =	shalt  }
0x5a: {  	_ =	shalt  }
0x5b: {  	_ =	shalt  }
0x5c: {  	_ =	shalt  }
0x5d: {  	_ =	shalt  }
0x5e: {  	_ =	shalt  }
0x5f: {  	_ =	shalt  }
0x60: {  	_ =	shalt  }
0x61: {  	_ =	shalt  }
0x62: {  	_ =	shalt  }
0x63: {  	_ =	shalt  }
0x64: {  	_ =	shalt  }
0x65: {  	_ =	shalt  }
0x66: {  	_ =	shalt  }
0x67: {  	_ =	shalt  }
0x68: {  	_ =	shalt  }
0x69: {  	_ =	shalt  }
0x6a: {  	_ =	shalt  }
0x6b: {  	_ =	shalt  }
0x6c: {  	_ =	shalt  }
0x6d: {  	_ =	shalt  }
0x6e: {  	_ =	shalt  }
0x6f: {  	_ =	shalt  }
0x70: {  	_ =	shalt  }
0x71: {  	_ =	shalt  }
0x72: {  	_ =	shalt  }
0x73: {  	_ =	shalt  }
0x74: {  	_ =	shalt  }
0x75: {  	_ =	shalt  }
0x76: {  	_ =	shalt  }
0x77: {  	_ =	shalt  }
0x78: {  	_ =	shalt  }
0x79: {  	_ =	shalt  }
0x7a: {  	_ =	shalt  }
0x7b: {  	_ =	shalt  }
0x7c: {  	_ =	shalt  }
0x7d: {  	_ =	shalt  }
0x7e: {  	_ =	shalt  }
0x7f: {  	_ =	shalt  }
0x80: {  	_ =	shalt  }
0x81: {  	_ =	shalt  }
0x82: {  	_ =	shalt  }
0x83: {  	_ =	shalt  }
0x84: {  	_ =	shalt  }
0x85: {  	_ =	shalt  }
0x86: {  	_ =	shalt  }
0x87: {  	_ =	shalt  }
.Lfunc_end0:
.L_simem_size_0:
called_computation_lowered:
.L_overlay_start_0:
0x88: {  	s2 =	sld [smem:$0x3FD9]  }
0x89: {  	s3 =	sld [smem:$0x3FFE];
	_ =	sdelay $0x1  }
0x8a: {  	s1 =	srdreg.scid  }
0x8b: {  	s0 =	sand.u32 $0x1, s1  }
0x8c: {  	s17 =	sshll.u32 s0, $0xA;
	s2 =	sadd.s32 s3, s2  }
0x8d: {  	s2 =	sadd.s32 s2, s17  }
0x8e: {  	[smem:$0x3FC7] =	sst s2  }
0x8f: {  	_ = 	snop  }
0x90: {  	s2 =	sld [smem:$0x3FD0];
	(tm) =	ssettm $0x1  }
0x91: {  	s18 =	sld [smem:$0x3FFB];
	_ =	sdelay $0x3  }
0x92: {  	_ =	strace s18  }
0x93: {  	s3 =	sld [smem:$0x3FFC];
	_ =	sdelay $0x3  }
0x94: {  	_ =	strace s3  }
0x95: {  	s3 =	sld [smem:$0x3FFD];
	_ =	sdelay $0x3  }
0x96: {  	_ =	strace s3  }
0x97: {  	_ =	strace $0x8FFFFFFF  }
0x98: {  	s19 =	sld [smem:$0x3FDB];
	_ =	sdelay $0x1  }
0x99: {  	s4 =	simm.s32 $_scs_section_size  }
0x9a: {  	s5 =	simm.s32 $_size__tile_overlayer_lowered;
	s6 =	simm.s32 $_tile_overlayer_lowered  }
0x9b: {  	s22 =	simm.s32 $0x1BFF;
	s21 =	sshll.u32 s6, $0x1;
	s3 =	sadd.s32 s4, s19  }
0x9c: {  	s7 =	simm.s32 $0x0;
	s20 =	sshll.u32 s5, $0x1;
	s5 =	sadd.s32 s21, s3  }
0x9d: {  	[timem:s7], [sflag:s22] =	dma.local [hbm:s5], s20  }
0x9e: {  	_ =	swait.ge [sflag:s22], s20  }
0x9f: {  	s4 =	ssub.s32 $0x0, s20;
	[sflag:s22] =	ssyncset.done $0x0  }
0xa0: {  	[sflag:s22] =	ssyncadd.s32 s4;
	_ =	sdelay $0x1  }
0xa1: {  	s23 =	simm.s32 $0x1B8B  }
0xa2: {  	_ =	swait.ge [sflag:s23], $0x1  }
0xa3: {  	[sflag:s23] =	ssyncset.done $0x0  }
0xa4: {  	s25 =	simm.s32 $0x1B8E;
	s24 =	sld [smem:$0x3FFE];
	[sflag:s23] =	ssyncadd.s32 $0xFFFFFFFF  }
0xa5: {  	s26 =	simm.s32 $execute0_lowered;
	[smem:$0x3FD2] =	sst s25  }
0xa6: {  	s5 =	sshll.u32 s26, $0x1;
	_ =	strace $0x80000046;
	[dreg:$0x1] =	wrdreg $0xFFFFFFFF  }
0xa7: {  	s28 =	simm.s32 $_size_execute0_lowered;
	s3 =	sadd.s32 s3, s5;
	[dreg:$0x0] =	wrdreg $0x0  }
0xa8: {  	s5 =	sshll.u32 s28, $0x1;
	[dreg:$0x2] =	wrdreg s3  }
0xa9: {  	[dreg:$0x3] =	wrdreg s5  }
0xaa: {  	[dreg:$0x4] =	wrdreg $0xC0  }
0xab: {  	_ =	task [dreg:s7], $0x5FFFF  }
0xac: {  	[dreg:$0x1] =	wrdreg $0xFFFFFFFF  }
0xad: {  	[dreg:$0x0] =	wrdreg $0x60  }
0xae: {  	[dreg:$0x2] =	wrdreg s2  }
0xaf: {  	[dreg:$0x3] =	wrdreg s24  }
0xb0: {  	[dreg:$0x4] =	wrdreg $0x9  }
0xb1: {  	_ =	task.clear_ibuf [dreg:s7], $0x5FFFF;
	_ =	strace $0x90000046  }
0xb2: {  	s29 =	simm.s32 $0x9;
	_ =	strace $0x80000048  }
0xb3: {  	_ =	swait.ge [sflag:s29], $0x1  }
0xb4: {  	[sflag:s29] =	ssyncadd.s32 $0xFFFFFFFF  }
0xb5: {  	_ =	strace $0x90000048  }
0xb6: {  	_ =	sfence  }
0xb7: {  	s30 =	sld [smem:$0x0];
	_ =	sdelay $0x2  }
0xb8: {  	s31 =	sshll.u32 s1, $0xD;
	s1 =	sshrl.u32 s1, $0x2  }
0xb9: {  	s3 =	sand.u32 $0x4000, s31;
	s1 =	sadd.s32 s1, s30  }
0xba: {  	s0 =	sor.u32 s3, s0;
	s1 =	sshll.u32 s1, $0x11  }
0xbb: {  	s0 =	sor.u32 s1, s0  }
0xbc: {  	s0 =	sadd.s32 $0x8F2B, s0  }
0xbd: {  	[sflag:s0] =	ssyncadd.remote.s32 $0x1  }
0xbe: {  	_ =	sfence.sel $0xFFFF  }
0xbf: {  	[dreg:$0x0] =	wrdreg $0xFFFFFFFF;
	(pc) =	sbr.abs _section_cstart, $3  }
0xc0: {  	[dreg:$0x1] =	wrdreg $0xFFFFFFFF  }
0xc1: {  	_ =	task.clear_ibuf [dreg:s7], $0x2FFFF;
	_ =	strace $0x9FFFFFFF  }
0xc2: {  	(tm) =	ssettm $0x7FFFFFFF  }
0xc3: {  	_ =	shalt  }
tec
execute0_lowered:
.L_overlay_start_1:
0x0: {  	(tag) =	ssettag $0x1  }
0x1: {  	s3 =	rddreg [dreg:$0x0]  }
0x2: {  	s4 =	rddreg [dreg:$0x1]  }
0x3: {  	v0 =	vlaneseq.u32;
	s0 =	rddreg [dreg:$0x2];
	s5 =	srdreg.scid  }
0x4: {  	s2 =	simm.s32 $0x0;
	s1 =	stileid.u32;
	v0 =	vmul.u32 $0x10, v0;
	s5 =	sand.u32 $0x1, s5  }
0x5: {  	v16 =	vimm.s32 $0x0;
	s9 =	simm.s32 $0x100;
	s6 =	sshll.u32 s1, $0x5;
	s7 =	sshll.u32 s5, $0x4  }
0x6: {  	[smem:$0x7FF] =	sst s2;
	s5 =	ssub.s32 $0x2, s5;
	v1 =	vor.u32 $0x1, v0;
	s6 =	sor.u32 s7, s6;
	v2 =	vor.u32 $0x2, v0;
	v3 =	vor.u32 $0x3, v0  }
0x7: {  	_ =	strace $0x80000047;
	v4 =	vor.u32 $0x4, v0;
	s8 =	sshrl.u32 s5, $0x1;
	v5 =	vor.u32 $0x5, v0;
	v6 =	vor.u32 $0x6, v0;
	s7 =	sshrl.u32 s6, $0x3  }
0x8: {  	v7 =	vor.u32 $0x7, v0;
	v8 =	vor.u32 $0x8, v0;
	v9 =	vor.u32 $0x9, v0;
	s6 =	sshll.u32 s6, $0x1;
	s5 =	ssub.s32 s5, s8;
	s8 =	simm.s32 $0x200  }
0x9: {  	v10 =	vor.u32 $0xA, v0;
	v11 =	vor.u32 $0xB, v0;
	v12 =	vor.u32 $0xC, v0;
	s4 =	sadd.s32 s7, s4;
	s3 =	sadd.s32 s3, s6;
	s5 =	smax.u32 s5, $0x1  }
0xa: {  	v13 =	vor.u32 $0xD, v0;
	v14 =	vor.u32 $0xE, v0;
	v15 =	vor.u32 $0xF, v0;
	s6 =	simm.s32 $0x1;
	s7 =	simm.s32 $0x10;
	s4 =	sadd.s32 $0x400, s4  }
.LBB2_1:
0xb: {  	[tilespmem:s2], [sflag:$0x1] =	stream.linear.gather [hbm4b:s3+s2], $0x100, $0x38;
	[tilespmem:$0x200] =	vst v63  }
0xc: {  	_ =	swait.ge [sflag:s6], $0x100  }
0xd: {  	[sflag:s6] =	ssyncset.done $0x0  }
0xe: {  	[sflag:s6] =	ssyncadd.s32 $0xFFFFFF00  }
0xf: {  	v17 =	vld.idx.msk [tilespmem:v0+s2+$0x0], $0xffff  }
0x10: {  	v18 =	vld.idx.msk [tilespmem:v1+s2+$0x0], $0xffff  }
0x11: {  	v19 =	vld.idx.msk [tilespmem:v2+s2+$0x0], $0xffff  }
0x12: {  	v20 =	vld.idx.msk [tilespmem:v3+s2+$0x0], $0xffff  }
0x13: {  	v21 =	vld.idx.msk [tilespmem:v4+s2+$0x0], $0xffff  }
0x14: {  	v22 =	vld.idx.msk [tilespmem:v5+s2+$0x0], $0xffff  }
0x15: {  	v23 =	vld.idx.msk [tilespmem:v6+s2+$0x0], $0xffff;
	v24 =	vmax.f32 v17, v18  }
0x16: {  	v25 =	vld.idx.msk [tilespmem:v7+s2+$0x0], $0xffff;
	v24 =	vmax.f32 v24, v19  }
0x17: {  	v26 =	vld.idx.msk [tilespmem:v8+s2+$0x0], $0xffff;
	v24 =	vmax.f32 v24, v20  }
0x18: {  	v27 =	vld.idx.msk [tilespmem:v9+s2+$0x0], $0xffff;
	v24 =	vmax.f32 v24, v21  }
0x19: {  	v28 =	vld.idx.msk [tilespmem:v10+s2+$0x0], $0xffff;
	v24 =	vmax.f32 v24, v22  }
0x1a: {  	v29 =	vld.idx.msk [tilespmem:v11+s2+$0x0], $0xffff;
	v24 =	vmax.f32 v24, v23  }
0x1b: {  	v30 =	vld.idx.msk [tilespmem:v12+s2+$0x0], $0xffff;
	v24 =	vmax.f32 v24, v25  }
0x1c: {  	v31 =	vld.idx.msk [tilespmem:v13+s2+$0x0], $0xffff;
	v24 =	vmax.f32 v24, v26  }
0x1d: {  	v32 =	vld.idx.msk [tilespmem:v14+s2+$0x0], $0xffff;
	v24 =	vmax.f32 v24, v27  }
0x1e: {  	v33 =	vld.idx.msk [tilespmem:v15+s2+$0x0], $0xffff;
	v24 =	vmax.f32 v24, v28  }
0x1f: {  	v24 =	vmax.f32 v24, v29  }
0x20: {  	v24 =	vmax.f32 v24, v30  }
0x21: {  	v24 =	vmax.f32 v24, v31  }
0x22: {  	v24 =	vmax.f32 v24, v32  }
0x23: {  	v24 =	vmax.f32 v24, v33  }
0x24: {  	v17 =	vsub.f32 v17, v24  }
0x25: {  	v18 =	vsub.f32 v18, v24  }
0x26: {  	v17 =	vmul.f32 $1.442695020e+00, v17  }
0x27: {  	v19 =	vsub.f32 v19, v24;
	v18 =	vmul.f32 $1.442695020e+00, v18  }
0x28: {  	(erf) = vpow2.f32 v17  }
0x29: {  	v17 =	vmul.f32 $1.442695020e+00, v19;
	(erf) = vpow2.f32 v18;
	v18 =	vsub.f32 v20, v24;
	_ =	sdelay $0x1  }
0x2a: {  	(erf) = vpow2.f32 v17;
	v17 =	vmul.f32 $1.442695020e+00, v18;
	v18 =	vsub.f32 v21, v24;
	_ =	sdelay $0x1  }
0x2b: {  	(erf) = vpow2.f32 v17;
	v17 =	vmul.f32 $1.442695020e+00, v18;
	v18 =	vsub.f32 v22, v24;
	_ =	sdelay $0x1  }
0x2c: {  	(erf) = vpow2.f32 v17;
	v17 =	vmul.f32 $1.442695020e+00, v18;
	v18 =	vsub.f32 v23, v24;
	_ =	sdelay $0x1  }
0x2d: {  	v19 =	vsub.f32 v25, v24  }
0x2e: {  	v49 =	vpop (erf);
	(erf) = vpow2.f32 v17;
	v17 =	vmul.f32 $1.442695020e+00, v18  }
0x2f: {  	v19 =	vmul.f32 $1.442695020e+00, v19;
	v18 =	vpop (erf)  }
0x30: {  	(erf) = vpow2.f32 v17;
	v17 =	vsub.f32 v26, v24;
	v50 =	vadd.f32 v18, v49  }
0x31: {  	v51 =	vpop (erf);
	(erf) = vpow2.f32 v19  }
0x32: {  	v19 =	vsub.f32 v27, v24;
	v17 =	vmul.f32 $1.442695020e+00, v17;
	v21 =	vadd.f32 v50, v51  }
0x33: {  	v52 =	vpop (erf)  }
0x34: {  	(erf) = vpow2.f32 v17;
	v17 =	vmul.f32 $1.442695020e+00, v19;
	v19 =	vadd.f32 v21, v52  }
0x35: {  	v53 =	vsub.f32 v28, v24;
	v54 =	vpop (erf)  }
0x36: {  	(erf) = vpow2.f32 v17;
	v19 =	vadd.f32 v19, v54  }
0x37: {  	v25 =	vmul.f32 $1.442695020e+00, v53;
	v17 =	vsub.f32 v29, v24;
	v55 =	vpop (erf)  }
0x38: {  	v19 =	vadd.f32 v19, v55  }
0x39: {  	v56 =	vsub.f32 v30, v24;
	(erf) = vpow2.f32 v25;
	v17 =	vmul.f32 $1.442695020e+00, v17;
	v34 =	vpop (erf)  }
0x3a: {  	v19 =	vadd.f32 v19, v34  }
0x3b: {  	v57 =	vsub.f32 v31, v24;
	(erf) = vpow2.f32 v17;
	v17 =	vmul.f32 $1.442695020e+00, v56;
	v58 =	vpop (erf)  }
0x3c: {  	v19 =	vadd.f32 v19, v58  }
0x3d: {  	v27 =	vmul.f32 $1.442695020e+00, v57;
	(erf) = vpow2.f32 v17;
	v17 =	vsub.f32 v32, v24;
	v35 =	vpop (erf)  }
0x3e: {  	v19 =	vadd.f32 v19, v35  }
0x3f: {  	v24 =	vsub.f32 v33, v24;
	(erf) = vpow2.f32 v27;
	v17 =	vmul.f32 $1.442695020e+00, v17;
	v59 =	vpop (erf)  }
0x40: {  	v19 =	vadd.f32 v19, v59  }
0x41: {  	(erf) = vpow2.f32 v17;
	v17 =	vmul.f32 $1.442695020e+00, v24  }
0x42: {  	v36 =	vpop (erf)  }
0x43: {  	(erf) = vpow2.f32 v17;
	v17 =	vadd.f32 v19, v36  }
0x44: {  	v19 =	vpop (erf)  }
0x45: {  	v17 =	vadd.f32 v17, v19  }
0x46: {  	v37 =	vpop (erf)  }
0x47: {  	v17 =	vadd.f32 v17, v37  }
0x48: {  	v38 =	vpop (erf)  }
0x49: {  	v17 =	vadd.f32 v17, v38  }
0x4a: {  	v39 =	vpop (erf)  }
0x4b: {  	v17 =	vadd.f32 v17, v39  }
0x4c: {  	v40 =	vpop (erf)  }
0x4d: {  	v17 =	vadd.f32 v17, v40;
	_ =	sdelay $0x1  }
0x4e: {  	(erf) = vrcp.f32 v17;
	_ =	sdelay $0x8  }
0x4f: {  	v41 =	vpop (erf)  }
0x50: {  	v31 =	vmul.f32 v41, v49;
	v32 =	vmul.f32 v41, v18  }
0x51: {  	v30 =	vmul.f32 v41, v51;
	v29 =	vmul.f32 v41, v52  }
0x52: {  	v28 =	vmul.f32 v41, v54;
	v27 =	vmul.f32 v41, v55  }
0x53: {  	v26 =	vmul.f32 v41, v34;
	v25 =	vmul.f32 v41, v58  }
0x54: {  	v24 =	vmul.f32 v41, v35;
	v23 =	vmul.f32 v41, v59  }
0x55: {  	v22 =	vmul.f32 v41, v36;
	v21 =	vmul.f32 v41, v19  }
0x56: {  	v20 =	vmul.f32 v41, v37;
	v18 =	vmul.f32 v41, v38  }
0x57: {  	v17 =	vmul.f32 v41, v39;
	v19 =	vmul.f32 v41, v40;
	vm0 =	vge.f32 v31, v32  }
0x58: {  	vm15 =	vge.f32 v31, v30;
	vm5 =	vge.f32 v31, v29;
	vm7 =	vge.f32 v31, v28  }
0x59: {  	vm9 =	vge.f32 v31, v27;
	vm11 =	vge.f32 v31, v26;
	vm13 =	vge.f32 v31, v25  }
0x5a: {  	vm1 =	vmneg vm0;
	v34 =	vsel vm0, $0x1, v16;
	vm4 =	vmneg vm15  }
0x5b: {  	v35 =	vsel vm15, $0x1, v16;
	vm6 =	vmneg vm5;
	v63 =	vsel vm5, $0x1, v16  }
0x5c: {  	vm8 =	vmneg vm7;
	v36 =	vsel vm7, $0x1, v16;
	vm10 =	vmneg vm9  }
0x5d: {  	v39 =	vsel vm9, $0x1, v16;
	vm12 =	vmneg vm11;
	v40 =	vsel vm11, $0x1, v16  }
0x5e: {  	vm14 =	vmneg vm13;
	v38 =	vsel vm13, $0x1, v16;
	vm15 =	vge.f32 v31, v24  }
0x5f: {  	vm5 =	vge.f32 v31, v23;
	vm7 =	vge.f32 v31, v22;
	vm9 =	vge.f32 v31, v21  }
0x60: {  	vm11 =	vge.f32 v31, v20;
	vm13 =	vge.f32 v31, v18;
	v60 =	vsel vm1, $0x1, v16  }
0x61: {  	v61 =	vsel vm4, $0x1, v16;
	v62 =	vsel vm6, $0x1, v16;
	v50 =	vsel vm8, $0x1, v16  }
0x62: {  	v51 =	vsel vm10, $0x1, v16;
	v52 =	vsel vm12, $0x1, v16;
	v53 =	vsel vm14, $0x1, v16  }
0x63: {  	vm4 =	vmneg vm15;
	v42 =	vsel vm15, $0x1, v16;
	vm6 =	vmneg vm5  }
0x64: {  	v43 =	vsel vm5, $0x1, v16;
	vm8 =	vmneg vm7;
	v41 =	vsel vm7, $0x1, v16  }
0x65: {  	vm10 =	vmneg vm9;
	v45 =	vsel vm9, $0x1, v16;
	vm12 =	vmneg vm11  }
0x66: {  	v46 =	vsel vm11, $0x1, v16;
	vm14 =	vmneg vm13;
	vm15 =	vge.f32 v31, v17  }
0x67: {  	vm5 =	vge.f32 v31, v19;
	vm7 =	vge.f32 v32, v30;
	vm9 =	vge.f32 v32, v29  }
0x68: {  	vm11 =	vge.f32 v32, v28;
	v33 =	vadd.s32 v61, v60;
	v54 =	vsel vm4, $0x1, v16  }
0x69: {  	v55 =	vsel vm6, $0x1, v16;
	v44 =	vsel vm8, $0x1, v16;
	v56 =	vsel vm10, $0x1, v16  }
0x6a: {  	v57 =	vsel vm12, $0x1, v16;
	v47 =	vsel vm14, $0x1, v16;
	vm4 =	vmneg vm15  }
0x6b: {  	v48 =	vsel vm15, $0x1, v16;
	vm6 =	vmneg vm5;
	v49 =	vsel vm5, $0x1, v16  }
0x6c: {  	vm8 =	vmneg vm7;
	v60 =	vsel vm7, $0x1, v16;
	vm10 =	vmneg vm9  }
0x6d: {  	v61 =	vsel vm9, $0x1, v16;
	vm12 =	vmneg vm11;
	vm15 =	vge.f32 v32, v26  }
0x6e: {  	vm5 =	vge.f32 v32, v25;
	vm7 =	vge.f32 v32, v24;
	vm9 =	vge.f32 v32, v23  }
0x6f: {  	v33 =	vadd.s32 v62, v33;
	v58 =	vsel vm4, $0x1, v16;
	v59 =	vsel vm6, $0x1, v16  }
0x70: {  	v35 =	vadd.s32 v60, v35;
	v62 =	vsel vm10, $0x1, v16;
	v37 =	vadd.s32 v61, v63  }
0x71: {  	v63 =	vsel vm11, $0x1, v16;
	vm4 =	vmneg vm15;
	vm6 =	vmneg vm5  }
0x72: {  	vm10 =	vmneg vm9;
	v61 =	vsel vm9, $0x1, v16;
	vm11 =	vge.f32 v32, v22  }
0x73: {  	vm9 =	vge.f32 v32, v19;
	v33 =	vadd.s32 v50, v33;
	v50 =	vsel vm8, $0x1, v16  }
0x74: {  	v36 =	vadd.s32 v63, v36;
	vm8 =	vmneg vm7;
	v43 =	vadd.s32 v61, v43  }
0x75: {  	v63 =	vsel vm11, $0x1, v16;
	v61 =	vsel vm9, $0x1, v16;
	v33 =	vadd.s32 v51, v33  }
0x76: {  	v34 =	vadd.s32 v50, v34;
	v60 =	vsel vm8, $0x1, v16;
	v41 =	vadd.s32 v63, v41  }
0x77: {  	v33 =	vadd.s32 v52, v33;
	v34 =	vadd.s32 v62, v34;
	v52 =	vsel vm12, $0x1, v16  }
0x78: {  	v62 =	vsel vm10, $0x1, v16;
	vm12 =	vmneg vm11;
	vm10 =	vmneg vm9  }
0x79: {  	vm11 =	vge.f32 v30, v29;
	vm9 =	vge.f32 v30, v24;
	v33 =	vadd.s32 v53, v33  }
0x7a: {  	v34 =	vadd.s32 v52, v34;
	v52 =	vsel vm12, $0x1, v16;
	vm12 =	vmneg vm11  }
0x7b: {  	v63 =	vsel vm11, $0x1, v16;
	vm11 =	vge.f32 v30, v23;
	v33 =	vadd.s32 v54, v33  }
0x7c: {  	v37 =	vadd.s32 v63, v37;
	v63 =	vsel vm11, $0x1, v16;
	v33 =	vadd.s32 v55, v33  }
0x7d: {  	v55 =	vsel vm15, $0x1, v16;
	vm15 =	vge.f32 v32, v20;
	v43 =	vadd.s32 v63, v43  }
0x7e: {  	v33 =	vadd.s32 v44, v33;
	v44 =	vsel vm13, $0x1, v16;
	vm13 =	vge.f32 v32, v27  }
0x7f: {  	v40 =	vadd.s32 v55, v40;
	v55 =	vsel vm15, $0x1, v16;
	v33 =	vadd.s32 v56, v33  }
0x80: {  	vm14 =	vmneg vm13;
	v53 =	vsel vm13, $0x1, v16;
	v56 =	vsel vm4, $0x1, v16  }
0x81: {  	vm13 =	vge.f32 v32, v21;
	vm4 =	vmneg vm15;
	v46 =	vadd.s32 v55, v46  }
0x82: {  	vm15 =	vge.f32 v30, v27;
	v33 =	vadd.s32 v57, v33;
	v54 =	vsel vm14, $0x1, v16  }
0x83: {  	v39 =	vadd.s32 v53, v39;
	v57 =	vsel vm5, $0x1, v16;
	vm14 =	vmneg vm13  }
0x84: {  	v53 =	vsel vm13, $0x1, v16;
	vm5 =	vge.f32 v32, v18;
	vm13 =	vge.f32 v30, v28  }
0x85: {  	v55 =	vsel vm15, $0x1, v16;
	v33 =	vadd.s32 v47, v33;
	v34 =	vadd.s32 v54, v34  }
0x86: {  	v38 =	vadd.s32 v57, v38;
	v54 =	vsel vm14, $0x1, v16;
	v45 =	vadd.s32 v53, v45  }
0x87: {  	v57 =	vsel vm5, $0x1, v16;
	vm14 =	vmneg vm13;
	v53 =	vsel vm13, $0x1, v16  }
0x88: {  	v39 =	vadd.s32 v55, v39;
	vm13 =	vge.f32 v30, v22;
	v33 =	vadd.s32 v58, v33  }
0x89: {  	v34 =	vadd.s32 v56, v34;
	v58 =	vsel vm6, $0x1, v16;
	v56 =	vsel vm4, $0x1, v16  }
0x8a: {  	vm6 =	vmneg vm5;
	v44 =	vadd.s32 v57, v44;
	v36 =	vadd.s32 v53, v36  }
0x8b: {  	vm4 =	vmneg vm15;
	vm5 =	vge.f32 v30, v26;
	v53 =	vsel vm13, $0x1, v16  }
0x8c: {  	vm15 =	vge.f32 v30, v21;
	v33 =	vadd.s32 v59, v33;
	v34 =	vadd.s32 v58, v34  }
0x8d: {  	v59 =	vsel vm7, $0x1, v16;
	v58 =	vsel vm6, $0x1, v16;
	vm7 =	vge.f32 v32, v17  }
0x8e: {  	vm6 =	vmneg vm5;
	v57 =	vsel vm5, $0x1, v16;
	v41 =	vadd.s32 v53, v41  }
0x8f: {  	v55 =	vsel vm15, $0x1, v16;
	vm5 =	vge.f32 v30, v20;
	v42 =	vadd.s32 v59, v42  }
0x90: {  	v34 =	vadd.s32 v60, v34;
	vm8 =	vmneg vm7;
	v59 =	vsel vm7, $0x1, v16  }
0x91: {  	vm7 =	vge.f32 v30, v25;
	v40 =	vadd.s32 v57, v40;
	v45 =	vadd.s32 v55, v45  }
0x92: {  	v57 =	vsel vm5, $0x1, v16;
	v34 =	vadd.s32 v62, v34;
	v60 =	vsel vm8, $0x1, v16  }
0x93: {  	v47 =	vadd.s32 v59, v48;
	v62 =	vsel vm10, $0x1, v16;
	v48 =	vadd.s32 v61, v49  }
0x94: {  	vm8 =	vmneg vm7;
	v59 =	vsel vm7, $0x1, v16;
	vm10 =	vmneg vm9  }
0x95: {  	v61 =	vsel vm9, $0x1, v16;
	vm7 =	vge.f32 v30, v18;
	v46 =	vadd.s32 v57, v46  }
0x96: {  	vm9 =	vge.f32 v30, v17;
	v34 =	vadd.s32 v52, v34;
	v52 =	vsel vm12, $0x1, v16  }
0x97: {  	v38 =	vadd.s32 v59, v38;
	v42 =	vadd.s32 v61, v42;
	vm12 =	vmneg vm11  }
0x98: {  	v59 =	vsel vm7, $0x1, v16;
	v61 =	vsel vm9, $0x1, v16;
	vm11 =	vge.f32 v30, v19  }
0x99: {  	v34 =	vadd.s32 v54, v34;
	v35 =	vadd.s32 v52, v35;
	v54 =	vsel vm14, $0x1, v16  }
0x9a: {  	v52 =	vsel vm12, $0x1, v16;
	vm14 =	vmneg vm13;
	v44 =	vadd.s32 v59, v44  }
0x9b: {  	v47 =	vadd.s32 v61, v47;
	vm12 =	vmneg vm11;
	v63 =	vsel vm11, $0x1, v16  }
0x9c: {  	vm13 =	vge.f32 v29, v28;
	vm11 =	vge.f32 v29, v23;
	v34 =	vadd.s32 v56, v34  }
0x9d: {  	v35 =	vadd.s32 v54, v35;
	v56 =	vsel vm4, $0x1, v16;
	v54 =	vsel vm14, $0x1, v16  }
0x9e: {  	vm4 =	vmneg vm15;
	v48 =	vadd.s32 v63, v48;
	vm14 =	vmneg vm13  }
0x9f: {  	v53 =	vsel vm13, $0x1, v16;
	vm15 =	vge.f32 v29, v27;
	vm13 =	vge.f32 v29, v22  }
0xa0: {  	v34 =	vadd.s32 v58, v34;
	v35 =	vadd.s32 v56, v35;
	v58 =	vsel vm6, $0x1, v16  }
0xa1: {  	v56 =	vsel vm4, $0x1, v16;
	vm6 =	vmneg vm5;
	v49 =	vadd.s32 v53, v36  }
0xa2: {  	vm4 =	vmneg vm15;
	vm5 =	vge.f32 v29, v26;
	v34 =	vadd.s32 v60, v34  }
0xa3: {  	v35 =	vadd.s32 v58, v35;
	v60 =	vsel vm8, $0x1, v16;
	v58 =	vsel vm6, $0x1, v16  }
0xa4: {  	vm8 =	vmneg vm7;
	v57 =	vsel vm4, $0x1, v16;
	vm6 =	vmneg vm5  }
0xa5: {  	vm7 =	vge.f32 v29, v25;
	v34 =	vadd.s32 v62, v34;
	v35 =	vadd.s32 v60, v35  }
0xa6: {  	v62 =	vsel vm10, $0x1, v16;
	v60 =	vsel vm8, $0x1, v16;
	vm10 =	vmneg vm9  }
0xa7: {  	v59 =	vsel vm6, $0x1, v16;
	vm8 =	vmneg vm7;
	vm9 =	vge.f32 v29, v24  }
0xa8: {  	v35 =	vadd.s32 v62, v35;
	v62 =	vsel vm10, $0x1, v16;
	v61 =	vsel vm8, $0x1, v16  }
0xa9: {  	vm10 =	vmneg vm9;
	v35 =	vadd.s32 v52, v35;
	v52 =	vsel vm12, $0x1, v16  }
0xaa: {  	v63 =	vsel vm10, $0x1, v16;
	vm12 =	vmneg vm11;
	v35 =	vadd.s32 v54, v35  }
0xab: {  	v54 =	vsel vm14, $0x1, v16;
	v53 =	vsel vm12, $0x1, v16;
	vm14 =	vmneg vm13  }
0xac: {  	v35 =	vadd.s32 v56, v35;
	v55 =	vadd.s32 v54, v37;
	v56 =	vsel vm15, $0x1, v16  }
0xad: {  	v54 =	vsel vm13, $0x1, v16;
	vm15 =	vge.f32 v29, v21;
	vm13 =	vge.f32 v28, v27  }
0xae: {  	v35 =	vadd.s32 v58, v35;
	v37 =	vadd.s32 v56, v39;
	v36 =	vadd.s32 v57, v55  }
0xaf: {  	v58 =	vsel vm5, $0x1, v16;
	v55 =	vsel vm14, $0x1, v16;
	v41 =	vadd.s32 v54, v41  }
0xb0: {  	vm4 =	vmneg vm15;
	v56 =	vsel vm15, $0x1, v16;
	vm5 =	vge.f32 v29, v20  }
0xb1: {  	vm14 =	vmneg vm13;
	v54 =	vsel vm13, $0x1, v16;
	vm15 =	vge.f32 v28, v26  }
0xb2: {  	vm13 =	vge.f32 v28, v21;
	v35 =	vadd.s32 v60, v35;
	v39 =	vadd.s32 v58, v40  }
0xb3: {  	v36 =	vadd.s32 v59, v36;
	v60 =	vsel vm7, $0x1, v16;
	v57 =	vsel vm4, $0x1, v16  }
0xb4: {  	vm6 =	vmneg vm5;
	v58 =	vsel vm5, $0x1, v16;
	vm7 =	vge.f32 v29, v18  }
0xb5: {  	vm4 =	vmneg vm15;
	vm5 =	vge.f32 v28, v25;
	v35 =	vadd.s32 v62, v35  }
0xb6: {  	v38 =	vadd.s32 v60, v38;
	v36 =	vadd.s32 v61, v36;
	v62 =	vsel vm9, $0x1, v16  }
0xb7: {  	v59 =	vsel vm6, $0x1, v16;
	vm8 =	vmneg vm7;
	v60 =	vsel vm7, $0x1, v16  }
0xb8: {  	vm9 =	vge.f32 v29, v17;
	vm6 =	vmneg vm5;
	vm7 =	vge.f32 v28, v24  }
0xb9: {  	v35 =	vadd.s32 v52, v35;
	v40 =	vadd.s32 v62, v42;
	v36 =	vadd.s32 v63, v36  }
0xba: {  	v52 =	vsel vm11, $0x1, v16;
	v61 =	vsel vm8, $0x1, v16;
	v44 =	vadd.s32 v60, v44  }
0xbb: {  	vm10 =	vmneg vm9;
	v62 =	vsel vm9, $0x1, v16;
	vm11 =	vge.f32 v29, v19  }
0xbc: {  	v60 =	vsel vm6, $0x1, v16;
	vm8 =	vmneg vm7;
	vm9 =	vge.f32 v28, v23  }
0xbd: {  	v42 =	vadd.s32 v52, v43;
	v36 =	vadd.s32 v53, v36;
	v43 =	vadd.s32 v56, v45  }
0xbe: {  	v45 =	vadd.s32 v58, v46;
	v63 =	vsel vm10, $0x1, v16;
	v46 =	vadd.s32 v62, v47  }
0xbf: {  	vm12 =	vmneg vm11;
	v52 =	vsel vm11, $0x1, v16;
	v58 =	vsel vm4, $0x1, v16  }
0xc0: {  	v62 =	vsel vm8, $0x1, v16;
	vm10 =	vmneg vm9;
	vm11 =	vge.f32 v28, v22  }
0xc1: {  	v36 =	vadd.s32 v55, v36;
	v53 =	vsel vm12, $0x1, v16;
	v47 =	vadd.s32 v52, v48  }
0xc2: {  	v55 =	vsel vm14, $0x1, v16;
	v48 =	vadd.s32 v54, v37;
	v52 =	vsel vm10, $0x1, v16  }
0xc3: {  	vm12 =	vmneg vm11;
	vm14 =	vmneg vm13;
	v36 =	vadd.s32 v57, v36  }
0xc4: {  	v56 =	vadd.s32 v55, v49;
	v57 =	vsel vm15, $0x1, v16;
	v54 =	vsel vm12, $0x1, v16  }
0xc5: {  	v55 =	vsel vm13, $0x1, v16;
	vm15 =	vge.f32 v28, v20;
	vm13 =	vge.f32 v27, v25  }
0xc6: {  	v36 =	vadd.s32 v59, v36;
	v39 =	vadd.s32 v57, v39;
	v37 =	vadd.s32 v58, v56  }
0xc7: {  	v59 =	vsel vm5, $0x1, v16;
	v56 =	vsel vm14, $0x1, v16;
	v43 =	vadd.s32 v55, v43  }
0xc8: {  	vm4 =	vmneg vm15;
	v57 =	vsel vm15, $0x1, v16;
	vm5 =	vge.f32 v28, v18  }
0xc9: {  	vm14 =	vmneg vm13;
	v55 =	vsel vm13, $0x1, v16;
	vm15 =	vge.f32 v27, v24  }
0xca: {  	vm13 =	vge.f32 v27, v18;
	v36 =	vadd.s32 v61, v36;
	v38 =	vadd.s32 v59, v38  }
0xcb: {  	v37 =	vadd.s32 v60, v37;
	v61 =	vsel vm7, $0x1, v16;
	v58 =	vsel vm4, $0x1, v16  }
0xcc: {  	v45 =	vadd.s32 v57, v45;
	vm6 =	vmneg vm5;
	v59 =	vsel vm5, $0x1, v16  }
0xcd: {  	vm7 =	vge.f32 v28, v17;
	vm4 =	vmneg vm15;
	vm5 =	vge.f32 v27, v23  }
0xce: {  	v36 =	vadd.s32 v63, v36;
	v40 =	vadd.s32 v61, v40;
	v37 =	vadd.s32 v62, v37  }
0xcf: {  	v63 =	vsel vm9, $0x1, v16;
	v60 =	vsel vm6, $0x1, v16;
	v44 =	vadd.s32 v59, v44  }
0xd0: {  	vm8 =	vmneg vm7;
	v61 =	vsel vm7, $0x1, v16;
	vm9 =	vge.f32 v28, v19  }
0xd1: {  	v49 =	vadd.s32 v55, v38;
	v59 =	vsel vm4, $0x1, v16;
	vm6 =	vmneg vm5  }
0xd2: {  	vm7 =	vge.f32 v27, v22;
	v36 =	vadd.s32 v53, v36;
	v42 =	vadd.s32 v63, v42  }
0xd3: {  	v37 =	vadd.s32 v52, v37;
	v53 =	vsel vm11, $0x1, v16;
	v62 =	vsel vm8, $0x1, v16  }
0xd4: {  	v46 =	vadd.s32 v61, v46;
	vm10 =	vmneg vm9;
	v63 =	vsel vm9, $0x1, v16  }
0xd5: {  	vm11 =	vge.f32 v27, v26;
	v61 =	vsel vm6, $0x1, v16;
	vm8 =	vmneg vm7  }
0xd6: {  	vm9 =	vge.f32 v27, v21;
	v41 =	vadd.s32 v53, v41;
	v37 =	vadd.s32 v54, v37  }
0xd7: {  	v52 =	vsel vm10, $0x1, v16;
	v47 =	vadd.s32 v63, v47;
	vm12 =	vmneg vm11  }
0xd8: {  	v53 =	vsel vm11, $0x1, v16;
	v63 =	vsel vm8, $0x1, v16;
	vm10 =	vmneg vm9  }
0xd9: {  	vm11 =	vge.f32 v27, v20;
	v37 =	vadd.s32 v56, v37;
	v54 =	vsel vm12, $0x1, v16  }
0xda: {  	v39 =	vadd.s32 v53, v39;
	v56 =	vsel vm14, $0x1, v16;
	v53 =	vsel vm10, $0x1, v16  }
0xdb: {  	vm12 =	vmneg vm11;
	vm14 =	vmneg vm13;
	v37 =	vadd.s32 v58, v37  }
0xdc: {  	v48 =	vadd.s32 v54, v48;
	v58 =	vsel vm15, $0x1, v16;
	v54 =	vsel vm11, $0x1, v16  }
0xdd: {  	v55 =	vsel vm12, $0x1, v16;
	vm15 =	vge.f32 v27, v17;
	vm11 =	vge.f32 v26, v23  }
0xde: {  	v37 =	vadd.s32 v60, v37;
	v57 =	vadd.s32 v56, v48;
	v40 =	vadd.s32 v58, v40  }
0xdf: {  	v60 =	vsel vm5, $0x1, v16;
	v45 =	vadd.s32 v54, v45;
	v56 =	vsel vm13, $0x1, v16  }
0xe0: {  	vm4 =	vmneg vm15;
	v58 =	vsel vm15, $0x1, v16;
	vm5 =	vge.f32 v27, v19  }
0xe1: {  	vm12 =	vmneg vm11;
	v54 =	vsel vm11, $0x1, v16;
	vm13 =	vge.f32 v26, v22  }
0xe2: {  	vm15 =	vge.f32 v26, v21;
	vm11 =	vge.f32 v26, v19;
	v37 =	vadd.s32 v62, v37  }
0xe3: {  	v38 =	vadd.s32 v59, v57;
	v42 =	vadd.s32 v60, v42;
	v62 =	vsel vm7, $0x1, v16  }
0xe4: {  	v57 =	vsel vm14, $0x1, v16;
	v44 =	vadd.s32 v56, v44;
	v59 =	vsel vm4, $0x1, v16  }
0xe5: {  	v46 =	vadd.s32 v58, v46;
	vm6 =	vmneg vm5;
	v60 =	vsel vm5, $0x1, v16  }
0xe6: {  	vm7 =	vge.f32 v26, v25;
	vm14 =	vmneg vm13;
	v56 =	vsel vm13, $0x1, v16  }
0xe7: {  	vm4 =	vmneg vm15;
	v58 =	vsel vm15, $0x1, v16;
	vm5 =	vge.f32 v26, v20  }
0xe8: {  	vm13 =	vge.f32 v25, v24;
	vm15 =	vge.f32 v25, v23;
	v37 =	vadd.s32 v52, v37  }
0xe9: {  	v38 =	vadd.s32 v61, v38;
	v41 =	vadd.s32 v62, v41;
	v52 =	vsel vm9, $0x1, v16  }
0xea: {  	v61 =	vsel vm6, $0x1, v16;
	v47 =	vadd.s32 v60, v47;
	vm8 =	vmneg vm7  }
0xeb: {  	v62 =	vsel vm7, $0x1, v16;
	vm9 =	vge.f32 v26, v24;
	v42 =	vadd.s32 v54, v42  }
0xec: {  	vm6 =	vmneg vm5;
	v60 =	vsel vm5, $0x1, v16;
	vm7 =	vge.f32 v26, v18  }
0xed: {  	v54 =	vsel vm11, $0x1, v16;
	vm5 =	vge.f32 v25, v22;
	v38 =	vadd.s32 v63, v38  }
0xee: {  	v43 =	vadd.s32 v52, v43;
	v63 =	vsel vm8, $0x1, v16;
	v48 =	vadd.s32 v62, v49  }
0xef: {  	vm10 =	vmneg vm9;
	v52 =	vsel vm9, $0x1, v16;
	v41 =	vadd.s32 v56, v41  }
0xf0: {  	v45 =	vadd.s32 v60, v45;
	vm8 =	vmneg vm7;
	v62 =	vsel vm7, $0x1, v16  }
0xf1: {  	vm9 =	vge.f32 v26, v17;
	v47 =	vadd.s32 v54, v47;
	v56 =	vsel vm13, $0x1, v16  }
0xf2: {  	vm7 =	vge.f32 v25, v21;
	v38 =	vadd.s32 v53, v38;
	v39 =	vadd.s32 v63, v39  }
0xf3: {  	v53 =	vsel vm10, $0x1, v16;
	v40 =	vadd.s32 v52, v40;
	v43 =	vadd.s32 v58, v43  }
0xf4: {  	v63 =	vsel vm8, $0x1, v16;
	v44 =	vadd.s32 v62, v44;
	vm10 =	vmneg vm9  }
0xf5: {  	v52 =	vsel vm9, $0x1, v16;
	vm8 =	vmneg vm7;
	vm9 =	vge.f32 v25, v20  }
0xf6: {  	v38 =	vadd.s32 v55, v38;
	v39 =	vadd.s32 v53, v39;
	v55 =	vsel vm12, $0x1, v16  }
0xf7: {  	v53 =	vsel vm10, $0x1, v16;
	v46 =	vadd.s32 v52, v46;
	vm12 =	vmneg vm11  }
0xf8: {  	v49 =	vadd.s32 v56, v40;
	v52 =	vsel vm8, $0x1, v16;
	vm10 =	vmneg vm9  }
0xf9: {  	vm11 =	vge.f32 v25, v18;
	v38 =	vadd.s32 v57, v38;
	v39 =	vadd.s32 v55, v39  }
0xfa: {  	v57 =	vsel vm14, $0x1, v16;
	v55 =	vsel vm12, $0x1, v16;
	vm14 =	vmneg vm13  }
0xfb: {  	v54 =	vsel vm10, $0x1, v16;
	vm12 =	vmneg vm11;
	vm13 =	vge.f32 v25, v17  }
0xfc: {  	v38 =	vadd.s32 v59, v38;
	v39 =	vadd.s32 v57, v39;
	v59 =	vsel vm4, $0x1, v16  }
0xfd: {  	v57 =	vsel vm14, $0x1, v16;
	vm4 =	vmneg vm15;
	v56 =	vsel vm12, $0x1, v16  }
0xfe: {  	vm14 =	vmneg vm13;
	v38 =	vadd.s32 v61, v38;
	v39 =	vadd.s32 v59, v39  }
0xff: {  	v61 =	vsel vm6, $0x1, v16;
	v58 =	vadd.s32 v57, v48;
	v59 =	vsel vm15, $0x1, v16  }
0x100: {  	v60 =	vsel vm4, $0x1, v16;
	vm6 =	vmneg vm5;
	v57 =	vsel vm13, $0x1, v16  }
0x101: {  	vm15 =	vge.f32 v25, v19;
	vm13 =	vge.f32 v24, v18;
	v39 =	vadd.s32 v61, v39  }
0x102: {  	v42 =	vadd.s32 v59, v42;
	v40 =	vadd.s32 v60, v58;
	v61 =	vsel vm5, $0x1, v16  }
0x103: {  	v62 =	vsel vm6, $0x1, v16;
	v58 =	vsel vm14, $0x1, v16;
	v46 =	vadd.s32 v57, v46  }
0x104: {  	vm4 =	vmneg vm15;
	v59 =	vsel vm15, $0x1, v16;
	vm5 =	vge.f32 v24, v23  }
0x105: {  	vm14 =	vmneg vm13;
	vm15 =	vge.f32 v24, v17;
	v39 =	vadd.s32 v63, v39  }
0x106: {  	v41 =	vadd.s32 v61, v41;
	v40 =	vadd.s32 v62, v40;
	v63 =	vsel vm7, $0x1, v16  }
0x107: {  	v60 =	vsel vm4, $0x1, v16;
	v47 =	vadd.s32 v59, v47;
	vm6 =	vmneg vm5  }
0x108: {  	v61 =	vsel vm5, $0x1, v16;
	vm7 =	vge.f32 v24, v22;
	v59 =	vsel vm13, $0x1, v16  }
0x109: {  	vm4 =	vmneg vm15;
	vm5 =	vge.f32 v24, v19;
	vm13 =	vge.f32 v23, v18  }
0x10a: {  	v39 =	vadd.s32 v53, v39;
	v43 =	vadd.s32 v63, v43;
	v40 =	vadd.s32 v52, v40  }
0x10b: {  	v53 =	vsel vm9, $0x1, v16;
	v62 =	vsel vm6, $0x1, v16;
	v42 =	vadd.s32 v61, v42  }
0x10c: {  	vm8 =	vmneg vm7;
	v52 =	vsel vm7, $0x1, v16;
	vm9 =	vge.f32 v24, v21  }
0x10d: {  	v61 =	vsel vm15, $0x1, v16;
	vm6 =	vmneg vm5;
	vm7 =	vge.f32 v23, v22  }
0x10e: {  	vm15 =	vge.f32 v23, v17;
	v39 =	vadd.s32 v55, v39;
	v45 =	vadd.s32 v53, v45  }
0x10f: {  	v40 =	vadd.s32 v54, v40;
	v55 =	vsel vm11, $0x1, v16;
	v63 =	vadd.s32 v62, v49  }
0x110: {  	v53 =	vsel vm8, $0x1, v16;
	v49 =	vadd.s32 v52, v41;
	vm10 =	vmneg vm9  }
0x111: {  	vm11 =	vge.f32 v24, v20;
	v62 =	vsel vm4, $0x1, v16;
	v46 =	vadd.s32 v61, v46  }
0x112: {  	v52 =	vsel vm6, $0x1, v16;
	vm8 =	vmneg vm7;
	vm4 =	vmneg vm15  }
0x113: {  	v61 =	vsel vm15, $0x1, v16;
	vm15 =	vge.f32 v22, v19;
	v44 =	vadd.s32 v55, v44  }
0x114: {  	v40 =	vadd.s32 v56, v40;
	v54 =	vadd.s32 v53, v63;
	v55 =	vsel vm9, $0x1, v16  }
0x115: {  	v56 =	vsel vm10, $0x1, v16;
	vm12 =	vmneg vm11;
	v57 =	vsel vm11, $0x1, v16  }
0x116: {  	v63 =	vsel vm5, $0x1, v16;
	v53 =	vsel vm7, $0x1, v16;
	vm9 =	vge.f32 v23, v21  }
0x117: {  	vm11 =	vge.f32 v23, v20;
	vm5 =	vge.f32 v23, v19;
	v46 =	vadd.s32 v61, v46  }
0x118: {  	vm7 =	vge.f32 v22, v21;
	v61 =	vsel vm15, $0x1, v16;
	v40 =	vadd.s32 v58, v40  }
0x119: {  	v43 =	vadd.s32 v55, v43;
	v41 =	vadd.s32 v56, v54;
	v58 =	vsel vm12, $0x1, v16  }
0x11a: {  	v45 =	vadd.s32 v57, v45;
	v44 =	vadd.s32 v59, v44;
	v47 =	vadd.s32 v63, v47  }
0x11b: {  	v54 =	vsel vm8, $0x1, v16;
	v48 =	vadd.s32 v53, v49;
	vm10 =	vmneg vm9  }
0x11c: {  	v55 =	vsel vm9, $0x1, v16;
	vm12 =	vmneg vm11;
	v57 =	vsel vm11, $0x1, v16  }
0x11d: {  	v59 =	vsel vm13, $0x1, v16;
	vm6 =	vmneg vm5;
	v63 =	vsel vm5, $0x1, v16  }
0x11e: {  	vm8 =	vmneg vm7;
	v53 =	vsel vm7, $0x1, v16;
	vm9 =	vge.f32 v22, v20  }
0x11f: {  	vm11 =	vge.f32 v22, v18;
	vm5 =	vge.f32 v21, v20;
	vm7 =	vge.f32 v21, v18  }
0x120: {  	v40 =	vadd.s32 v60, v40;
	v41 =	vadd.s32 v58, v41;
	v60 =	vsel vm14, $0x1, v16  }
0x121: {  	v42 =	vadd.s32 v54, v42;
	v56 =	vsel vm10, $0x1, v16;
	v43 =	vadd.s32 v55, v43  }
0x122: {  	v58 =	vsel vm12, $0x1, v16;
	v45 =	vadd.s32 v57, v45;
	vm14 =	vmneg vm13  }
0x123: {  	v44 =	vadd.s32 v59, v44;
	v47 =	vadd.s32 v63, v47;
	v54 =	vsel vm8, $0x1, v16  }
0x124: {  	vm10 =	vmneg vm9;
	v55 =	vsel vm9, $0x1, v16;
	vm12 =	vmneg vm11  }
0x125: {  	v57 =	vsel vm11, $0x1, v16;
	vm13 =	vge.f32 v22, v17;
	v63 =	vsel vm5, $0x1, v16  }
0x126: {  	vm8 =	vmneg vm7;
	vm9 =	vge.f32 v21, v17;
	v41 =	vadd.s32 v60, v41  }
0x127: {  	v42 =	vadd.s32 v56, v42;
	v60 =	vsel vm14, $0x1, v16;
	v43 =	vadd.s32 v53, v43  }
0x128: {  	v48 =	vadd.s32 v54, v48;
	v56 =	vsel vm10, $0x1, v16;
	v45 =	vadd.s32 v55, v45  }
0x129: {  	v44 =	vadd.s32 v57, v44;
	vm14 =	vmneg vm13;
	v59 =	vsel vm13, $0x1, v16  }
0x12a: {  	v47 =	vadd.s32 v61, v47;
	v53 =	vsel vm7, $0x1, v16;
	v54 =	vsel vm8, $0x1, v16  }
0x12b: {  	v55 =	vsel vm9, $0x1, v16;
	vm0 =	vmneg vm9;
	vm10 =	vge.f32 v21, v19  }
0x12c: {  	vm13 =	vlt.u32 v34, $0x8;
	vm7 =	vlt.u32 v37, $0x8;
	vm9 =	vlt.u32 v38, $0x8  }
0x12d: {  	v41 =	vadd.s32 v62, v41;
	v42 =	vadd.s32 v58, v42;
	v62 =	vsel vm4, $0x1, v16  }
0x12e: {  	v48 =	vadd.s32 v56, v48;
	v58 =	vsel vm12, $0x1, v16;
	v46 =	vadd.s32 v59, v46  }
0x12f: {  	vm4 =	vmneg vm15;
	v45 =	vadd.s32 v63, v45;
	v44 =	vadd.s32 v53, v44  }
0x130: {  	v56 =	vsel vm0, $0x1, v16;
	vm11 =	vmneg vm10;
	v57 =	vsel vm10, $0x1, v16  }
0x131: {  	vm12 =	vlt.u32 v33, $0x8;
	v32 =	vnsel vm13, $0x0, v32;
	vm15 =	vlt.u32 v35, $0x8  }
0x132: {  	v28 =	vnsel vm7, $0x0, v28;
	v27 =	vnsel vm9, $0x0, v27;
	vm10 =	vge.f32 v20, v19  }
0x133: {  	vm13 =	vlt.u32 v40, $0x8;
	v41 =	vadd.s32 v52, v41;
	v42 =	vadd.s32 v60, v42  }
0x134: {  	v52 =	vsel vm6, $0x1, v16;
	v48 =	vadd.s32 v58, v48;
	v60 =	vsel vm14, $0x1, v16  }
0x135: {  	vm6 =	vmneg vm5;
	v46 =	vadd.s32 v55, v46;
	v58 =	vsel vm11, $0x1, v16  }
0x136: {  	v31 =	vnsel vm12, $0x0, v31;
	vm14 =	vge.f32 v20, v18;
	v61 =	vadd.s32 v57, v47  }
0x137: {  	v30 =	vnsel vm15, $0x0, v30;
	v48 =	vadd.s32 v60, v48;
	v60 =	vadd.f32 v32, v31  }
0x138: {  	vm5 =	vlt.u32 v36, $0x8;
	vm11 =	vlt.u32 v39, $0x8;
	vm12 =	vmneg vm10  }
0x139: {  	v25 =	vnsel vm13, $0x0, v25;
	v42 =	vadd.s32 v62, v42;
	v35 =	vadd.f32 v60, v30  }
0x13a: {  	v62 =	vsel vm4, $0x1, v16;
	vm4 =	vmneg vm14;
	v29 =	vnsel vm5, $0x0, v29  }
0x13b: {  	v26 =	vnsel vm11, $0x0, v26;
	v53 =	vsel vm12, $0x1, v16;
	v35 =	vadd.f32 v35, v29  }
0x13c: {  	vm15 =	vlt.u32 v41, $0x8;
	v42 =	vadd.s32 v52, v42;
	v48 =	vadd.s32 v62, v48  }
0x13d: {  	v52 =	vsel vm6, $0x1, v16;
	v62 =	vsel vm14, $0x1, v16;
	v35 =	vadd.f32 v35, v28  }
0x13e: {  	v63 =	vsel vm4, $0x1, v16;
	vm6 =	vge.f32 v20, v17;
	vm14 =	vge.f32 v18, v17  }
0x13f: {  	v24 =	vnsel vm15, $0x0, v24;
	v43 =	vadd.s32 v52, v43;
	v35 =	vadd.f32 v35, v27  }
0x140: {  	v49 =	vadd.s32 v62, v44;
	vm8 =	vmneg vm6;
	v50 =	vsel vm6, $0x1, v16  }
0x141: {  	v34 =	vadd.s32 v63, v45;
	v52 =	vsel vm10, $0x1, v16;
	v35 =	vadd.f32 v35, v26  }
0x142: {  	vm4 =	vmneg vm14;
	vm5 =	vlt.u32 v42, $0x8;
	vm6 =	vge.f32 v18, v19  }
0x143: {  	vm7 =	vlt.u32 v48, $0x8;
	vm10 =	vge.f32 v17, v19;
	v35 =	vadd.f32 v35, v25  }
0x144: {  	v43 =	vadd.s32 v54, v43;
	v51 =	vsel vm8, $0x1, v16;
	v37 =	vadd.s32 v50, v46  }
0x145: {  	v39 =	vadd.s32 v52, v61;
	v54 =	vsel vm14, $0x1, v16;
	v35 =	vadd.f32 v35, v24  }
0x146: {  	v55 =	vsel vm4, $0x1, v16;
	v23 =	vnsel vm5, $0x0, v23;
	v22 =	vnsel vm7, $0x0, v22  }
0x147: {  	vm8 =	vmneg vm6;
	v59 =	vadd.s32 v56, v43;
	v35 =	vadd.f32 v35, v23  }
0x148: {  	vm12 =	vmneg vm10;
	v63 =	vsel vm10, $0x1, v16;
	v33 =	vadd.s32 v58, v59  }
0x149: {  	v34 =	vadd.s32 v51, v34;
	vm9 =	vlt.u32 v33, $0x8;
	v57 =	vadd.f32 v35, v22  }
0x14a: {  	v34 =	vadd.s32 v53, v34;
	v58 =	vadd.s32 v55, v49;
	v21 =	vnsel vm9, $0x0, v21  }
0x14b: {  	v59 =	vsel vm8, $0x1, v16;
	vm11 =	vlt.u32 v34, $0x8;
	v33 =	vadd.f32 v57, v21  }
0x14c: {  	v37 =	vadd.s32 v54, v37;
	v60 =	vadd.s32 v59, v58;
	v20 =	vnsel vm11, $0x0, v20  }
0x14d: {  	v61 =	vsel vm12, $0x1, v16;
	vm13 =	vlt.u32 v60, $0x8;
	v33 =	vadd.f32 v33, v20  }
0x14e: {  	v56 =	vsel vm6, $0x1, v16;
	v18 =	vnsel vm13, $0x0, v18;
	v35 =	vadd.s32 v61, v37  }
0x14f: {  	v62 =	vadd.s32 v56, v39;
	vm14 =	vlt.u32 v35, $0x8;
	v33 =	vadd.f32 v33, v18  }
0x150: {  	v34 =	vadd.s32 v63, v62;
	v17 =	vnsel vm14, $0x0, v17  }
0x151: {  	vm15 =	vlt.u32 v34, $0x8;
	v33 =	vadd.f32 v33, v17  }
0x152: {  	v19 =	vnsel vm15, $0x0, v19  }
0x153: {  	v33 =	vadd.f32 v33, v19;
	_ =	sdelay $0x1  }
0x154: {  	(erf) = vrcp.f32 v33;
	_ =	sdelay $0x8  }
0x155: {  	v33 =	vpop (erf)  }
0x156: {  	v31 =	vmul.f32 v33, v31  }
0x157: {  	v32 =	vmul.f32 v33, v32  }
0x158: {  	v30 =	vmul.f32 v33, v30;
	[tilespmem:$0x100] =	vst v31  }
0x159: {  	v29 =	vmul.f32 v33, v29;
	[tilespmem:$0x110] =	vst v32  }
0x15a: {  	v28 =	vmul.f32 v33, v28;
	[tilespmem:$0x120] =	vst v30  }
0x15b: {  	v27 =	vmul.f32 v33, v27;
	[tilespmem:$0x130] =	vst v29  }
0x15c: {  	v26 =	vmul.f32 v33, v26;
	[tilespmem:$0x140] =	vst v28  }
0x15d: {  	v25 =	vmul.f32 v33, v25;
	[tilespmem:$0x150] =	vst v27  }
0x15e: {  	v24 =	vmul.f32 v33, v24;
	[tilespmem:$0x160] =	vst v26  }
0x15f: {  	v23 =	vmul.f32 v33, v23;
	[tilespmem:$0x170] =	vst v25  }
0x160: {  	v22 =	vmul.f32 v33, v22;
	[tilespmem:$0x180] =	vst v24  }
0x161: {  	v21 =	vmul.f32 v33, v21;
	[tilespmem:$0x190] =	vst v23  }
0x162: {  	v20 =	vmul.f32 v33, v20;
	[tilespmem:$0x1A0] =	vst v22  }
0x163: {  	v18 =	vmul.f32 v33, v18;
	[tilespmem:$0x1B0] =	vst v21  }
0x164: {  	v17 =	vmul.f32 v33, v17;
	[tilespmem:$0x1C0] =	vst v20  }
0x165: {  	[tilespmem:$0x1D0] =	vst v18;
	v18 =	vmul.f32 v33, v19  }
0x166: {  	p0 =	sne.s32 s5, $0x1;
	[tilespmem:$0x1E0] =	vst v17  }
.Ltmp0:
0x167: {  	[tilespmem:$0x1F0] =	vst v18;
	(pc) =	sbr.rel @p0 .LBB2_1-.Ltmp0, $4  }
0x168: {  	[hbm4b:s4+s7] =	stream.strided.scatter [tilespmem:s9], [sflag:$0x1], $0x100, s8, s7, $0x38;
	[tilespmem:$0x200] =	vst v63  }
0x169: {  	_ =	swait.ge [sflag:s6], $0x100  }
0x16a: {  	[sflag:s6] =	ssyncset.done $0x0  }
0x16b: {  	s5 =	sadd.s32 $0xFFFFFFFF, s5;
	[sflag:s6] =	ssyncadd.s32 $0xFFFFFF00  }
0x16c: {  	_ =	sfence.sel $0x180000  }
0x16d: {  	[bflag:$0x0] =	sbarrier.arrive $0xFFFF  }
0x16e: {  	p0 =	sne.s32 s1, $0x0;
	_ =	strace $0x90000047  }
0x16f: {  	s0 =	sadd.s32 @!p0 $0x100000, s0;
	[bflag:$0x2] =	sbarrier.arrive $0xFFFF  }
0x170: {  	[sflag:s0] =	ssyncadd.tile.s32 @!p0 $0x1;
	_ =	shalt  }
.Lfunc_end2:
_tile_overlayer_lowered:
.L_overlay_start_2:
0x171: {  	(tag) =	ssettag $0x2  }
0x172: {  	s0 =	rddreg [dreg:$0x0];
	s2 =	stileid.u32  }
0x173: {  	s1 =	rddreg [dreg:$0x1];
	p0 =	sne.s32 s2, $0x0  }
0x174: {  	s3 =	rddreg [dreg:$0x2];
	[bflag:$0x3] =	sbarrier.arrive $0xFFFF;
	s2 =	simm.s32 @!p0 $0x1C01  }
0x175: {  	[timem:s3], [sflag:s2] =	dma.local @!p0 [hbm:s0], s1  }
0x176: {  	s0 =	simm.s32 @!p0 $0x1  }
0x177: {  	_ =	swait.ge @!p0 [sflag:s0], s1  }
0x178: {  	s1 =	ssub.s32 @!p0 $0x0, s1;
	[sflag:s0] =	ssyncset.done @!p0 $0x0  }
0x179: {  	[sflag:s0] =	ssyncadd.s32 @!p0 s1  }
0x17a: {  	[bflag:$0x3] =	sbarrier.arrive $0xFFFF  }
0x17b: {  	_ =	shalt  }

</sc_bundles>
